<compile_context>
chip_gen: v7x
topology: tpu7x:2x2x1
jax: 0.10.2.dev20260603
libtpu: 0.0.44.dev20260713+nightly
codegen_flags: <defaults>
</compile_context>

<pallas_src>
import functools

import jax
import jax.numpy as jnp
from jax import lax
from jax.experimental import pallas as pl
from jax.experimental.pallas import tpu as pltpu
from jax.experimental.pallas import tpu_sc as plsc

_N_NODES = 100000
_N_EDGES = 6400000
_NW = 32
_CHUNK = 3200
_N_CH = _N_EDGES // _CHUNK
_VSTEPS = _CHUNK // 16


def _make_partial_loss():
    mesh = plsc.VectorSubcoreMesh(core_axis_name="c", subcore_axis_name="s")

    @functools.partial(
        pl.kernel,
        mesh=mesh,
        out_type=jax.ShapeDtypeStruct((_NW, 16), jnp.float32),
        compiler_params=pltpu.CompilerParams(needs_layout_passes=False),
        scratch_types=[
            pltpu.VMEM((_N_NODES,), jnp.int32),
            pltpu.VMEM((2, _CHUNK), jnp.int32),
            pltpu.VMEM((2, _CHUNK), jnp.int32),
            pltpu.VMEM((_CHUNK,), jnp.float32),
            pltpu.VMEM((_CHUNK,), jnp.float32),
            pltpu.VMEM((16,), jnp.float32),
            pltpu.SemaphoreType.DMA,
            pltpu.SemaphoreType.DMA,
            pltpu.VMEM_SHARED((_N_NODES,), jnp.int32),
        ],
    )
    def partial_loss(pred_hbm, eidx_hbm, group_hbm, out_hbm,
                     group_v, eid0_v, eid1_v, pred0_v, pred1_v,
                     acc_v, sem0, sem1, group_s):
        cid = lax.axis_index("c")
        sid = lax.axis_index("s")
        wid = sid * 2 + cid
        n_t = (_N_CH - wid + _NW - 1) // _NW
        sems = (sem0, sem1)
        eids = (eid0_v, eid1_v)
        preds = (pred0_v, pred1_v)

        def start(t, b):
            off = (wid + _NW * t) * _CHUNK
            pltpu.async_copy(eidx_hbm.at[:, pl.ds(off, _CHUNK)],
                             eids[b], sems[b])
            pltpu.async_copy(pred_hbm.at[pl.ds(off, _CHUNK)],
                             preds[b], sems[b])

        def wait(b):
            pltpu.make_async_copy(eidx_hbm.at[:, pl.ds(0, _CHUNK)],
                                  eids[b], sems[b]).wait()
            pltpu.make_async_copy(pred_hbm.at[pl.ds(0, _CHUNK)],
                                  preds[b], sems[b]).wait()

        iota16 = jnp.arange(16, dtype=jnp.int32)
        row0 = jnp.zeros((16,), jnp.int32)
        row1 = jnp.ones((16,), jnp.int32)

        def compute(b, acc):
            eref, pref = eids[b], preds[b]

            def step(i, a):
                cols = i * 16 + iota16
                s = plsc.load_gather(eref, [row0, cols])
                t = plsc.load_gather(eref, [row1, cols])
                p = pref[pl.ds(i * 16, 16)]
                sg = plsc.load_gather(group_v, [s])
                tg = plsc.load_gather(group_v, [t])
                assn = jnp.where(sg == tg, jnp.float32(1.0),
                                 jnp.float32(0.0))
                d = assn - p
                return a + d * d

            return plsc.parallel_loop(0, _VSTEPS, unroll=8, carry=acc)(step)

        start(0, 0)
        start(1, 1)

        @pl.when(sid == 0)
        def _():
            pltpu.sync_copy(group_hbm, group_s)

        plsc.subcore_barrier()
        pltpu.sync_copy(group_s, group_v)

        def pair_body(g, acc):
            c0 = 2 * g
            wait(0)

            @pl.when(c0 + 2 < n_t)
            def _():
                start(c0 + 2, 0)

            acc = compute(0, acc)
            wait(1)

            @pl.when(c0 + 3 < n_t)
            def _():
                start(c0 + 3, 1)

            return compute(1, acc)

        acc = lax.fori_loop(0, n_t // 2, pair_body,
                            jnp.zeros((16,), jnp.float32))
        acc_v[...] = acc

        @pl.when(n_t % 2 == 1)
        def _():
            wait(0)
            acc_v[...] = compute(0, acc_v[...])

        pltpu.sync_copy(acc_v, out_hbm.at[wid])

    return partial_loss


_partial_loss = _make_partial_loss()


def kernel(edge_pred, edge_index, group):
    partials = _partial_loss(edge_pred, edge_index, group)
    return jnp.sum(partials) / jnp.float32(_N_EDGES)

# --- scband reference (transcript-rebuilt; emitter-appended) ---
"""Pipeline reference for scband-edge-label-loss-62775241998838 (READ-ONLY COPY).

The authoritative reference and input builder live on the scoring server;
editing this copy changes nothing except your own understanding.
"""

import jax, jax.numpy as jnp
import numpy as np

N_NODES = 100000
N_EDGES = 6400000
N_GROUPS = 100


def setup_inputs(seed: int = 0) -> dict:
    key = jax.random.key(seed)
    k1, k2, k3 = jax.random.split(key, 3)
    # predicted edge weights from the upstream GNN model (probability-like scores)
    edge_pred = jax.random.uniform(k1, (N_EDGES,), dtype=jnp.float32)
    # bipartite/incidence edge index between clusters (values index into cluster array)
    edge_index = jax.random.randint(k2, (2, N_EDGES), 0, N_NODES, dtype=jnp.int32)
    # per-cluster group labels (ground-truth grouping extracted from data[1])
    group = jax.random.randint(k3, (N_NODES,), 0, N_GROUPS, dtype=jnp.int32)
    return {"edge_pred": edge_pred, "edge_index": edge_index, "group": group}


def edge_assignment(edge_index, group):
    # edge_assignment: label edge 1 if both endpoints belong to the same group, else 0
    src_group = jnp.take(group, edge_index[0], axis=0)
    dst_group = jnp.take(group, edge_index[1], axis=0)
    return (src_group == dst_group).astype(jnp.float32)


def reference(edge_pred, edge_index, group):
    # Faithful core of EdgeLabelLoss.forward:
    #   edge_assn = edge_assignment(edge_index, batch, group)
    #   return self.lossfn(edge_assn, edge_pred)   # lossfn = nn.MSELoss()
    # The clustering / compton-filter / primary-assignment preprocessing that
    # produces (edge_index, group) from raw point-cloud tensors is precomputed
    # here and provided as integer inputs (it is non-differentiable index logic).
    edge_assn = edge_assignment(edge_index, group)
    loss = jnp.mean((edge_assn - edge_pred) ** 2)
    return loss

if __name__ == "__main__":
    import jax
    _d = setup_inputs()
    print(jax.jit(kernel)(*tuple(_d.values())))

</pallas_src>

<mosaic_0001>
#map = affine_map<(d0, d1) -> (0)>
#map1 = affine_map<(d0, d1) -> (0, 0)>
module attributes {stable_mosaic.version = 14 : i64} {
  func.func @partial_loss(%arg0: i32, %arg1: i32, %arg2: memref<6400000xf32, #tpu.memory_space<hbm>>, %arg3: memref<2x6400000xi32, #tpu.memory_space<hbm>>, %arg4: memref<100000xi32, #tpu.memory_space<hbm>>, %arg5: memref<32x16xf32, #tpu.memory_space<hbm>>, %arg6: memref<100000xi32, #tpu.memory_space<vmem>>, %arg7: memref<2x3200xi32, #tpu.memory_space<vmem>>, %arg8: memref<2x3200xi32, #tpu.memory_space<vmem>>, %arg9: memref<3200xf32, #tpu.memory_space<vmem>>, %arg10: memref<3200xf32, #tpu.memory_space<vmem>>, %arg11: memref<16xf32, #tpu.memory_space<vmem>>, %arg12: memref<!tpu.dma_semaphore, #tpu.memory_space<semaphore_mem>>, %arg13: memref<!tpu.dma_semaphore, #tpu.memory_space<semaphore_mem>>, %arg14: memref<100000xi32, #tpu.memory_space<vmem_shared>>) attributes {dimension_semantics = [#tpu.dimension_semantics<core_parallel>, #tpu.dimension_semantics<subcore_parallel>], iteration_bounds = array<i64: 2, 16>, scalar_prefetch = 0 : i64, scratch_operands = 9 : i64, tpu.core_type = #tpu.core_type<sc_vector_subcore>, window_params = [{transform_indices = #map}, {transform_indices = #map1}, {transform_indices = #map}, {transform_indices = #map1}]} {
    %mul3A = arith.constant 2 : i32
    %mul3A_0 = arith.muli %arg1, %mul3A : i32
    %add3A = arith.addi %mul3A_0, %arg0 : i32
    %sub3A = arith.constant 2000 : i32
    %sub3A_1 = arith.subi %sub3A, %add3A : i32
    %add3A_2 = arith.constant 32 : i32
    %add3A_3 = arith.addi %sub3A_1, %add3A_2 : i32
    %sub3A_4 = arith.constant 1 : i32
    %sub3A_5 = arith.subi %add3A_3, %sub3A_4 : i32
    %jit3A = arith.constant 32 : i32
    %div3A = arith.divsi %sub3A_5, %jit3A : i32
    %sign3A = arith.constant 0 : i32
    %sign3A_6 = arith.cmpi sgt, %sub3A_5, %sign3A : i32
    %sign3A_7 = arith.extui %sign3A_6 : i1 to i32
    %sign3A_8 = arith.constant 0 : i32
    %sign3A_9 = arith.cmpi slt, %sub3A_5, %sign3A_8 : i32
    %sign3A_10 = arith.extui %sign3A_9 : i1 to i32
    %sign3A_11 = arith.subi %sign3A_7, %sign3A_10 : i32
    %sign3A_12 = arith.constant 0 : i32
    %sign3A_13 = arith.cmpi sgt, %jit3A, %sign3A_12 : i32
    %sign3A_14 = arith.extui %sign3A_13 : i1 to i32
    %sign3A_15 = arith.constant 0 : i32
    %sign3A_16 = arith.cmpi slt, %jit3A, %sign3A_15 : i32
    %sign3A_17 = arith.extui %sign3A_16 : i1 to i32
    %sign3A_18 = arith.subi %sign3A_14, %sign3A_17 : i32
    %ne3A = arith.cmpi ne, %sign3A_11, %sign3A_18 : i32
    %rem3A = arith.remsi %sub3A_5, %jit3A : i32
    %ne3A_19 = arith.constant 0 : i32
    %ne3A_20 = arith.cmpi ne, %rem3A, %ne3A_19 : i32
    %and3A = arith.andi %ne3A, %ne3A_20 : i1
    %sub3A_21 = arith.constant 1 : i32
    %sub3A_22 = arith.subi %div3A, %sub3A_21 : i32
    %select_n3A = arith.select %and3A, %sub3A_22, %div3A : i32
    %iota3A = tpu.iota {dimensions = array<i32: 0>} : vector<16xi32>
    %broadcast_in_dim3A = arith.constant 0 : i32
    %broadcast_in_dim3A_23 = vector.broadcast %broadcast_in_dim3A : i32 to vector<16xi32>
    %broadcast_in_dim3A_24 = arith.constant 1 : i32
    %broadcast_in_dim3A_25 = vector.broadcast %broadcast_in_dim3A_24 : i32 to vector<16xi32>
    %add3A_26 = arith.constant 0 : i32
    %add3A_27 = arith.addi %add3A, %add3A_26 : i32
    %mul3A_28 = arith.constant 3200 : i32
    %mul3A_29 = arith.muli %add3A_27, %mul3A_28 : i32
    %dma_start3A = arith.constant 0 : i32
    %dma_start3A_30 = tpu.memref_slice %arg3[%dma_start3A, %mul3A_29] : memref<2x6400000xi32, #tpu.memory_space<hbm>> -> memref<2x3200xi32, #tpu.memory_space<hbm>>
    %dma_start3A_31 = arith.constant 0 : i32
    %dma_start3A_32 = tpu.memref_slice %arg3[%dma_start3A_31, %mul3A_29] : memref<2x6400000xi32, #tpu.memory_space<hbm>> -> memref<2x3200xi32, #tpu.memory_space<hbm>>
    tpu.enqueue_dma source(%dma_start3A_32 : memref<2x3200xi32, #tpu.memory_space<hbm>>) target(%arg7 : memref<2x3200xi32, #tpu.memory_space<vmem>>) target_semaphore(%arg12 : memref<!tpu.dma_semaphore, #tpu.memory_space<semaphore_mem>>)
    %dma_start3A_33 = tpu.memref_slice %arg2[%mul3A_29] : memref<6400000xf32, #tpu.memory_space<hbm>> -> memref<3200xf32, #tpu.memory_space<hbm>>
    %dma_start3A_34 = tpu.memref_slice %arg2[%mul3A_29] : memref<6400000xf32, #tpu.memory_space<hbm>> -> memref<3200xf32, #tpu.memory_space<hbm>>
    tpu.enqueue_dma source(%dma_start3A_34 : memref<3200xf32, #tpu.memory_space<hbm>>) target(%arg9 : memref<3200xf32, #tpu.memory_space<vmem>>) target_semaphore(%arg12 : memref<!tpu.dma_semaphore, #tpu.memory_space<semaphore_mem>>)
    %add3A_35 = arith.constant 32 : i32
    %add3A_36 = arith.addi %add3A, %add3A_35 : i32
    %mul3A_37 = arith.constant 3200 : i32
    %mul3A_38 = arith.muli %add3A_36, %mul3A_37 : i32
    %dma_start3A_39 = arith.constant 0 : i32
    %dma_start3A_40 = tpu.memref_slice %arg3[%dma_start3A_39, %mul3A_38] : memref<2x6400000xi32, #tpu.memory_space<hbm>> -> memref<2x3200xi32, #tpu.memory_space<hbm>>
    %dma_start3A_41 = arith.constant 0 : i32
    %dma_start3A_42 = tpu.memref_slice %arg3[%dma_start3A_41, %mul3A_38] : memref<2x6400000xi32, #tpu.memory_space<hbm>> -> memref<2x3200xi32, #tpu.memory_space<hbm>>
    tpu.enqueue_dma source(%dma_start3A_42 : memref<2x3200xi32, #tpu.memory_space<hbm>>) target(%arg8 : memref<2x3200xi32, #tpu.memory_space<vmem>>) target_semaphore(%arg13 : memref<!tpu.dma_semaphore, #tpu.memory_space<semaphore_mem>>)
    %dma_start3A_43 = tpu.memref_slice %arg2[%mul3A_38] : memref<6400000xf32, #tpu.memory_space<hbm>> -> memref<3200xf32, #tpu.memory_space<hbm>>
    %dma_start3A_44 = tpu.memref_slice %arg2[%mul3A_38] : memref<6400000xf32, #tpu.memory_space<hbm>> -> memref<3200xf32, #tpu.memory_space<hbm>>
    tpu.enqueue_dma source(%dma_start3A_44 : memref<3200xf32, #tpu.memory_space<hbm>>) target(%arg10 : memref<3200xf32, #tpu.memory_space<vmem>>) target_semaphore(%arg13 : memref<!tpu.dma_semaphore, #tpu.memory_space<semaphore_mem>>)
    %eq3A = arith.constant 0 : i32
    %eq3A_45 = arith.cmpi eq, %arg1, %eq3A : i32
    %convert_element_type3A = arith.extui %eq3A_45 : i1 to i32
    %cond3A = arith.constant 0 : i32
    %cond3A_46 = arith.cmpi ne, %convert_element_type3A, %cond3A : i32
    scf.if %cond3A_46 {
      "tpu.region"() ({
        %run_scoped3A = tpu.sem_alloc : memref<!tpu.dma_semaphore, #tpu.memory_space<semaphore_mem>>
        tpu.enqueue_dma source(%arg4 : memref<100000xi32, #tpu.memory_space<hbm>>) target(%arg14 : memref<100000xi32, #tpu.memory_space<vmem_shared>>) target_semaphore(%run_scoped3A : memref<!tpu.dma_semaphore, #tpu.memory_space<semaphore_mem>>)
        tpu.wait_dma2 semaphore(%run_scoped3A : memref<!tpu.dma_semaphore, #tpu.memory_space<semaphore_mem>>) src(%arg4 : memref<100000xi32, #tpu.memory_space<hbm>>) dst(%arg14 : memref<100000xi32, #tpu.memory_space<vmem_shared>>)
        tpu.yield
      }) : () -> ()
    } else {
    }
    %barrier3A = arith.constant 0 : index
    tpu.barrier barrier_id(%barrier3A)
    "tpu.region"() ({
      %run_scoped3A = tpu.sem_alloc : memref<!tpu.dma_semaphore, #tpu.memory_space<semaphore_mem>>
      tpu.enqueue_dma source(%arg14 : memref<100000xi32, #tpu.memory_space<vmem_shared>>) target(%arg6 : memref<100000xi32, #tpu.memory_space<vmem>>) target_semaphore(%run_scoped3A : memref<!tpu.dma_semaphore, #tpu.memory_space<semaphore_mem>>)
      tpu.wait_dma2 semaphore(%run_scoped3A : memref<!tpu.dma_semaphore, #tpu.memory_space<semaphore_mem>>) src(%arg14 : memref<100000xi32, #tpu.memory_space<vmem_shared>>) dst(%arg6 : memref<100000xi32, #tpu.memory_space<vmem>>)
      tpu.yield
    }) : () -> ()
    %jit3A_47 = arith.constant 2 : i32
    %div3A_48 = arith.divsi %select_n3A, %jit3A_47 : i32
    %sign3A_49 = arith.constant 0 : i32
    %sign3A_50 = arith.cmpi sgt, %select_n3A, %sign3A_49 : i32
    %sign3A_51 = arith.extui %sign3A_50 : i1 to i32
    %sign3A_52 = arith.constant 0 : i32
    %sign3A_53 = arith.cmpi slt, %select_n3A, %sign3A_52 : i32
    %sign3A_54 = arith.extui %sign3A_53 : i1 to i32
    %sign3A_55 = arith.subi %sign3A_51, %sign3A_54 : i32
    %sign3A_56 = arith.constant 0 : i32
    %sign3A_57 = arith.cmpi sgt, %jit3A_47, %sign3A_56 : i32
    %sign3A_58 = arith.extui %sign3A_57 : i1 to i32
    %sign3A_59 = arith.constant 0 : i32
    %sign3A_60 = arith.cmpi slt, %jit3A_47, %sign3A_59 : i32
    %sign3A_61 = arith.extui %sign3A_60 : i1 to i32
    %sign3A_62 = arith.subi %sign3A_58, %sign3A_61 : i32
    %ne3A_63 = arith.cmpi ne, %sign3A_55, %sign3A_62 : i32
    %rem3A_64 = arith.remsi %select_n3A, %jit3A_47 : i32
    %ne3A_65 = arith.constant 0 : i32
    %ne3A_66 = arith.cmpi ne, %rem3A_64, %ne3A_65 : i32
    %and3A_67 = arith.andi %ne3A_63, %ne3A_66 : i1
    %sub3A_68 = arith.constant 1 : i32
    %sub3A_69 = arith.subi %div3A_48, %sub3A_68 : i32
    %select_n3A_70 = arith.select %and3A_67, %sub3A_69, %div3A_48 : i32
    %broadcast_in_dim3A_71 = arith.constant 0.000000e+00 : f32
    %broadcast_in_dim3A_72 = vector.broadcast %broadcast_in_dim3A_71 : f32 to vector<16xf32>
    %while3A = arith.constant 0 : i32
    %while3A_73 = arith.subi %select_n3A_70, %while3A : i32
    %while3A_74 = arith.addi %while3A, %while3A_73 : i32
    %while3A_75 = arith.constant 1 : i32
    %while3A_76 = arith.divsi %while3A_73, %while3A_75 : i32
    %while3A_77 = arith.muli %while3A_76, %while3A_75 : i32
    %while3A_78 = arith.addi %while3A, %while3A_77 : i32
    %while3A_79 = arith.constant 1 : i32
    %while3A_80 = scf.for %while3A_104 = %while3A to %while3A_78 step %while3A_79 iter_args(%while3A_105 = %broadcast_in_dim3A_72) -> (vector<16xf32>)  : i32 {
      %mul3A_106 = arith.constant 2 : i32
      %mul3A_107 = arith.muli %mul3A_106, %while3A_104 : i32
      %dma_wait3A = arith.constant 0 : i32
      %dma_wait3A_108 = arith.constant 0 : i32
      %dma_wait3A_109 = tpu.memref_slice %arg3[%dma_wait3A, %dma_wait3A_108] : memref<2x6400000xi32, #tpu.memory_space<hbm>> -> memref<2x3200xi32, #tpu.memory_space<hbm>>
      %dma_wait3A_110 = arith.constant 0 : i32
      %dma_wait3A_111 = arith.constant 0 : i32
      %dma_wait3A_112 = tpu.memref_slice %arg3[%dma_wait3A_110, %dma_wait3A_111] : memref<2x6400000xi32, #tpu.memory_space<hbm>> -> memref<2x3200xi32, #tpu.memory_space<hbm>>
      tpu.wait_dma2 semaphore(%arg12 : memref<!tpu.dma_semaphore, #tpu.memory_space<semaphore_mem>>) src(%dma_wait3A_112 : memref<2x3200xi32, #tpu.memory_space<hbm>>) dst(%arg7 : memref<2x3200xi32, #tpu.memory_space<vmem>>)
      %dma_wait3A_113 = arith.constant 0 : i32
      %dma_wait3A_114 = tpu.memref_slice %arg2[%dma_wait3A_113] : memref<6400000xf32, #tpu.memory_space<hbm>> -> memref<3200xf32, #tpu.memory_space<hbm>>
      %dma_wait3A_115 = arith.constant 0 : i32
      %dma_wait3A_116 = tpu.memref_slice %arg2[%dma_wait3A_115] : memref<6400000xf32, #tpu.memory_space<hbm>> -> memref<3200xf32, #tpu.memory_space<hbm>>
      tpu.wait_dma2 semaphore(%arg12 : memref<!tpu.dma_semaphore, #tpu.memory_space<semaphore_mem>>) src(%dma_wait3A_116 : memref<3200xf32, #tpu.memory_space<hbm>>) dst(%arg9 : memref<3200xf32, #tpu.memory_space<vmem>>)
      %add3A_117 = arith.constant 2 : i32
      %add3A_118 = arith.addi %mul3A_107, %add3A_117 : i32
      %lt3A_119 = arith.cmpi slt, %add3A_118, %select_n3A : i32
      %convert_element_type3A_120 = arith.extui %lt3A_119 : i1 to i32
      %cond3A_121 = arith.constant 0 : i32
      %cond3A_122 = arith.cmpi ne, %convert_element_type3A_120, %cond3A_121 : i32
      scf.if %cond3A_122 {
        %add3A_146 = arith.constant 2 : i32
        %add3A_147 = arith.addi %mul3A_107, %add3A_146 : i32
        %mul3A_148 = arith.constant 32 : i32
        %mul3A_149 = arith.muli %mul3A_148, %add3A_147 : i32
        %add3A_150 = arith.addi %add3A, %mul3A_149 : i32
        %mul3A_151 = arith.constant 3200 : i32
        %mul3A_152 = arith.muli %add3A_150, %mul3A_151 : i32
        %dma_start3A_153 = arith.constant 0 : i32
        %dma_start3A_154 = tpu.memref_slice %arg3[%dma_start3A_153, %mul3A_152] : memref<2x6400000xi32, #tpu.memory_space<hbm>> -> memref<2x3200xi32, #tpu.memory_space<hbm>>
        %dma_start3A_155 = arith.constant 0 : i32
        %dma_start3A_156 = tpu.memref_slice %arg3[%dma_start3A_155, %mul3A_152] : memref<2x6400000xi32, #tpu.memory_space<hbm>> -> memref<2x3200xi32, #tpu.memory_space<hbm>>
        tpu.enqueue_dma source(%dma_start3A_156 : memref<2x3200xi32, #tpu.memory_space<hbm>>) target(%arg7 : memref<2x3200xi32, #tpu.memory_space<vmem>>) target_semaphore(%arg12 : memref<!tpu.dma_semaphore, #tpu.memory_space<semaphore_mem>>)
        %dma_start3A_157 = tpu.memref_slice %arg2[%mul3A_152] : memref<6400000xf32, #tpu.memory_space<hbm>> -> memref<3200xf32, #tpu.memory_space<hbm>>
        %dma_start3A_158 = tpu.memref_slice %arg2[%mul3A_152] : memref<6400000xf32, #tpu.memory_space<hbm>> -> memref<3200xf32, #tpu.memory_space<hbm>>
        tpu.enqueue_dma source(%dma_start3A_158 : memref<3200xf32, #tpu.memory_space<hbm>>) target(%arg9 : memref<3200xf32, #tpu.memory_space<vmem>>) target_semaphore(%arg12 : memref<!tpu.dma_semaphore, #tpu.memory_space<semaphore_mem>>)
      } else {
      }
      %parallel_loop3A = arith.constant 0 : i32
      %parallel_loop3A_123 = arith.constant 200 : i32
      %parallel_loop3A_124 = arith.constant 1 : i32
      %parallel_loop3A_125 = scf.for %parallel_loop3A_146 = %parallel_loop3A to %parallel_loop3A_123 step %parallel_loop3A_124 iter_args(%parallel_loop3A_147 = %while3A_105) -> (vector<16xf32>)  : i32 {
        %parallel_loop3A_148 = arith.constant 16 : i32
        %parallel_loop3A_149 = arith.muli %parallel_loop3A_146, %parallel_loop3A_148 : i32
        %parallel_loop3A_150 = vector.broadcast %parallel_loop3A_149 : i32 to vector<16xi32>
        %parallel_loop3A_151 = arith.addi %parallel_loop3A_150, %iota3A : vector<16xi32>
        %parallel_loop3A_152 = tpu.vector_load_idx %arg7[%broadcast_in_dim3A_23, %parallel_loop3A_151] : memref<2x3200xi32, #tpu.memory_space<vmem>>[vector<16xi32>, vector<16xi32>], vector<16xi32>,
        %parallel_loop3A_153 = tpu.vector_load_idx %arg7[%broadcast_in_dim3A_25, %parallel_loop3A_151] : memref<2x3200xi32, #tpu.memory_space<vmem>>[vector<16xi32>, vector<16xi32>], vector<16xi32>,
        %parallel_loop3A_154 = arith.constant 16 : i32
        %parallel_loop3A_155 = arith.muli %parallel_loop3A_146, %parallel_loop3A_154 : i32
        %parallel_loop3A_156 = arith.index_cast %parallel_loop3A_155 : i32 to index
        %parallel_loop3A_157 = tpu.vector_load %arg9[%parallel_loop3A_156] {strides = array<i32>} : memref<3200xf32, #tpu.memory_space<vmem>>, vector<16xf32>,
        %parallel_loop3A_158 = tpu.vector_load_idx %arg6[%parallel_loop3A_152] : memref<100000xi32, #tpu.memory_space<vmem>>[vector<16xi32>], vector<16xi32>,
        %parallel_loop3A_159 = tpu.vector_load_idx %arg6[%parallel_loop3A_153] : memref<100000xi32, #tpu.memory_space<vmem>>[vector<16xi32>], vector<16xi32>,
        %parallel_loop3A_160 = arith.cmpi eq, %parallel_loop3A_158, %parallel_loop3A_159 : vector<16xi32>
        %parallel_loop3A_161 = arith.constant 1.000000e+00 : f32
        %parallel_loop3A_162 = arith.constant 0.000000e+00 : f32
        %parallel_loop3A_163 = vector.broadcast %parallel_loop3A_161 : f32 to vector<16xf32>
        %parallel_loop3A_164 = vector.broadcast %parallel_loop3A_162 : f32 to vector<16xf32>
        %parallel_loop3A_165 = arith.select %parallel_loop3A_160, %parallel_loop3A_163, %parallel_loop3A_164 : vector<16xi1>, vector<16xf32>
        %parallel_loop3A_166 = arith.subf %parallel_loop3A_165, %parallel_loop3A_157 : vector<16xf32>
        %parallel_loop3A_167 = arith.mulf %parallel_loop3A_166, %parallel_loop3A_166 : vector<16xf32>
        %parallel_loop3A_168 = arith.addf %parallel_loop3A_147, %parallel_loop3A_167 : vector<16xf32>
        scf.yield %parallel_loop3A_168 : vector<16xf32>
      } {sc.loop_unroll_factor = 8 : i64, sc.parallel_access}
      %dma_wait3A_126 = arith.constant 0 : i32
      %dma_wait3A_127 = arith.constant 0 : i32
      %dma_wait3A_128 = tpu.memref_slice %arg3[%dma_wait3A_126, %dma_wait3A_127] : memref<2x6400000xi32, #tpu.memory_space<hbm>> -> memref<2x3200xi32, #tpu.memory_space<hbm>>
      %dma_wait3A_129 = arith.constant 0 : i32
      %dma_wait3A_130 = arith.constant 0 : i32
      %dma_wait3A_131 = tpu.memref_slice %arg3[%dma_wait3A_129, %dma_wait3A_130] : memref<2x6400000xi32, #tpu.memory_space<hbm>> -> memref<2x3200xi32, #tpu.memory_space<hbm>>
      tpu.wait_dma2 semaphore(%arg13 : memref<!tpu.dma_semaphore, #tpu.memory_space<semaphore_mem>>) src(%dma_wait3A_131 : memref<2x3200xi32, #tpu.memory_space<hbm>>) dst(%arg8 : memref<2x3200xi32, #tpu.memory_space<vmem>>)
      %dma_wait3A_132 = arith.constant 0 : i32
      %dma_wait3A_133 = tpu.memref_slice %arg2[%dma_wait3A_132] : memref<6400000xf32, #tpu.memory_space<hbm>> -> memref<3200xf32, #tpu.memory_space<hbm>>
      %dma_wait3A_134 = arith.constant 0 : i32
      %dma_wait3A_135 = tpu.memref_slice %arg2[%dma_wait3A_134] : memref<6400000xf32, #tpu.memory_space<hbm>> -> memref<3200xf32, #tpu.memory_space<hbm>>
      tpu.wait_dma2 semaphore(%arg13 : memref<!tpu.dma_semaphore, #tpu.memory_space<semaphore_mem>>) src(%dma_wait3A_135 : memref<3200xf32, #tpu.memory_space<hbm>>) dst(%arg10 : memref<3200xf32, #tpu.memory_space<vmem>>)
      %add3A_136 = arith.constant 3 : i32
      %add3A_137 = arith.addi %mul3A_107, %add3A_136 : i32
      %lt3A_138 = arith.cmpi slt, %add3A_137, %select_n3A : i32
      %convert_element_type3A_139 = arith.extui %lt3A_138 : i1 to i32
      %cond3A_140 = arith.constant 0 : i32
      %cond3A_141 = arith.cmpi ne, %convert_element_type3A_139, %cond3A_140 : i32
      scf.if %cond3A_141 {
        %add3A_146 = arith.constant 3 : i32
        %add3A_147 = arith.addi %mul3A_107, %add3A_146 : i32
        %mul3A_148 = arith.constant 32 : i32
        %mul3A_149 = arith.muli %mul3A_148, %add3A_147 : i32
        %add3A_150 = arith.addi %add3A, %mul3A_149 : i32
        %mul3A_151 = arith.constant 3200 : i32
        %mul3A_152 = arith.muli %add3A_150, %mul3A_151 : i32
        %dma_start3A_153 = arith.constant 0 : i32
        %dma_start3A_154 = tpu.memref_slice %arg3[%dma_start3A_153, %mul3A_152] : memref<2x6400000xi32, #tpu.memory_space<hbm>> -> memref<2x3200xi32, #tpu.memory_space<hbm>>
        %dma_start3A_155 = arith.constant 0 : i32
        %dma_start3A_156 = tpu.memref_slice %arg3[%dma_start3A_155, %mul3A_152] : memref<2x6400000xi32, #tpu.memory_space<hbm>> -> memref<2x3200xi32, #tpu.memory_space<hbm>>
        tpu.enqueue_dma source(%dma_start3A_156 : memref<2x3200xi32, #tpu.memory_space<hbm>>) target(%arg8 : memref<2x3200xi32, #tpu.memory_space<vmem>>) target_semaphore(%arg13 : memref<!tpu.dma_semaphore, #tpu.memory_space<semaphore_mem>>)
        %dma_start3A_157 = tpu.memref_slice %arg2[%mul3A_152] : memref<6400000xf32, #tpu.memory_space<hbm>> -> memref<3200xf32, #tpu.memory_space<hbm>>
        %dma_start3A_158 = tpu.memref_slice %arg2[%mul3A_152] : memref<6400000xf32, #tpu.memory_space<hbm>> -> memref<3200xf32, #tpu.memory_space<hbm>>
        tpu.enqueue_dma source(%dma_start3A_158 : memref<3200xf32, #tpu.memory_space<hbm>>) target(%arg10 : memref<3200xf32, #tpu.memory_space<vmem>>) target_semaphore(%arg13 : memref<!tpu.dma_semaphore, #tpu.memory_space<semaphore_mem>>)
      } else {
      }
      %parallel_loop3A_142 = arith.constant 0 : i32
      %parallel_loop3A_143 = arith.constant 200 : i32
      %parallel_loop3A_144 = arith.constant 1 : i32
      %parallel_loop3A_145 = scf.for %parallel_loop3A_146 = %parallel_loop3A_142 to %parallel_loop3A_143 step %parallel_loop3A_144 iter_args(%parallel_loop3A_147 = %parallel_loop3A_125) -> (vector<16xf32>)  : i32 {
        %parallel_loop3A_148 = arith.constant 16 : i32
        %parallel_loop3A_149 = arith.muli %parallel_loop3A_146, %parallel_loop3A_148 : i32
        %parallel_loop3A_150 = vector.broadcast %parallel_loop3A_149 : i32 to vector<16xi32>
        %parallel_loop3A_151 = arith.addi %parallel_loop3A_150, %iota3A : vector<16xi32>
        %parallel_loop3A_152 = tpu.vector_load_idx %arg8[%broadcast_in_dim3A_23, %parallel_loop3A_151] : memref<2x3200xi32, #tpu.memory_space<vmem>>[vector<16xi32>, vector<16xi32>], vector<16xi32>,
        %parallel_loop3A_153 = tpu.vector_load_idx %arg8[%broadcast_in_dim3A_25, %parallel_loop3A_151] : memref<2x3200xi32, #tpu.memory_space<vmem>>[vector<16xi32>, vector<16xi32>], vector<16xi32>,
        %parallel_loop3A_154 = arith.constant 16 : i32
        %parallel_loop3A_155 = arith.muli %parallel_loop3A_146, %parallel_loop3A_154 : i32
        %parallel_loop3A_156 = arith.index_cast %parallel_loop3A_155 : i32 to index
        %parallel_loop3A_157 = tpu.vector_load %arg10[%parallel_loop3A_156] {strides = array<i32>} : memref<3200xf32, #tpu.memory_space<vmem>>, vector<16xf32>,
        %parallel_loop3A_158 = tpu.vector_load_idx %arg6[%parallel_loop3A_152] : memref<100000xi32, #tpu.memory_space<vmem>>[vector<16xi32>], vector<16xi32>,
        %parallel_loop3A_159 = tpu.vector_load_idx %arg6[%parallel_loop3A_153] : memref<100000xi32, #tpu.memory_space<vmem>>[vector<16xi32>], vector<16xi32>,
        %parallel_loop3A_160 = arith.cmpi eq, %parallel_loop3A_158, %parallel_loop3A_159 : vector<16xi32>
        %parallel_loop3A_161 = arith.constant 1.000000e+00 : f32
        %parallel_loop3A_162 = arith.constant 0.000000e+00 : f32
        %parallel_loop3A_163 = vector.broadcast %parallel_loop3A_161 : f32 to vector<16xf32>
        %parallel_loop3A_164 = vector.broadcast %parallel_loop3A_162 : f32 to vector<16xf32>
        %parallel_loop3A_165 = arith.select %parallel_loop3A_160, %parallel_loop3A_163, %parallel_loop3A_164 : vector<16xi1>, vector<16xf32>
        %parallel_loop3A_166 = arith.subf %parallel_loop3A_165, %parallel_loop3A_157 : vector<16xf32>
        %parallel_loop3A_167 = arith.mulf %parallel_loop3A_166, %parallel_loop3A_166 : vector<16xf32>
        %parallel_loop3A_168 = arith.addf %parallel_loop3A_147, %parallel_loop3A_167 : vector<16xf32>
        scf.yield %parallel_loop3A_168 : vector<16xf32>
      } {sc.loop_unroll_factor = 8 : i64, sc.parallel_access}
      scf.yield %parallel_loop3A_145 : vector<16xf32>
    }
    %while3A_81 = arith.constant 1 : i32
    %while3A_82 = scf.for %while3A_104 = %while3A_78 to %while3A_74 step %while3A_81 iter_args(%while3A_105 = %while3A_80) -> (vector<16xf32>)  : i32 {
      %mul3A_106 = arith.constant 2 : i32
      %mul3A_107 = arith.muli %mul3A_106, %while3A_104 : i32
      %dma_wait3A = arith.constant 0 : i32
      %dma_wait3A_108 = arith.constant 0 : i32
      %dma_wait3A_109 = tpu.memref_slice %arg3[%dma_wait3A, %dma_wait3A_108] : memref<2x6400000xi32, #tpu.memory_space<hbm>> -> memref<2x3200xi32, #tpu.memory_space<hbm>>
      %dma_wait3A_110 = arith.constant 0 : i32
      %dma_wait3A_111 = arith.constant 0 : i32
      %dma_wait3A_112 = tpu.memref_slice %arg3[%dma_wait3A_110, %dma_wait3A_111] : memref<2x6400000xi32, #tpu.memory_space<hbm>> -> memref<2x3200xi32, #tpu.memory_space<hbm>>
      tpu.wait_dma2 semaphore(%arg12 : memref<!tpu.dma_semaphore, #tpu.memory_space<semaphore_mem>>) src(%dma_wait3A_112 : memref<2x3200xi32, #tpu.memory_space<hbm>>) dst(%arg7 : memref<2x3200xi32, #tpu.memory_space<vmem>>)
      %dma_wait3A_113 = arith.constant 0 : i32
      %dma_wait3A_114 = tpu.memref_slice %arg2[%dma_wait3A_113] : memref<6400000xf32, #tpu.memory_space<hbm>> -> memref<3200xf32, #tpu.memory_space<hbm>>
      %dma_wait3A_115 = arith.constant 0 : i32
      %dma_wait3A_116 = tpu.memref_slice %arg2[%dma_wait3A_115] : memref<6400000xf32, #tpu.memory_space<hbm>> -> memref<3200xf32, #tpu.memory_space<hbm>>
      tpu.wait_dma2 semaphore(%arg12 : memref<!tpu.dma_semaphore, #tpu.memory_space<semaphore_mem>>) src(%dma_wait3A_116 : memref<3200xf32, #tpu.memory_space<hbm>>) dst(%arg9 : memref<3200xf32, #tpu.memory_space<vmem>>)
      %add3A_117 = arith.constant 2 : i32
      %add3A_118 = arith.addi %mul3A_107, %add3A_117 : i32
      %lt3A_119 = arith.cmpi slt, %add3A_118, %select_n3A : i32
      %convert_element_type3A_120 = arith.extui %lt3A_119 : i1 to i32
      %cond3A_121 = arith.constant 0 : i32
      %cond3A_122 = arith.cmpi ne, %convert_element_type3A_120, %cond3A_121 : i32
      scf.if %cond3A_122 {
        %add3A_146 = arith.constant 2 : i32
        %add3A_147 = arith.addi %mul3A_107, %add3A_146 : i32
        %mul3A_148 = arith.constant 32 : i32
        %mul3A_149 = arith.muli %mul3A_148, %add3A_147 : i32
        %add3A_150 = arith.addi %add3A, %mul3A_149 : i32
        %mul3A_151 = arith.constant 3200 : i32
        %mul3A_152 = arith.muli %add3A_150, %mul3A_151 : i32
        %dma_start3A_153 = arith.constant 0 : i32
        %dma_start3A_154 = tpu.memref_slice %arg3[%dma_start3A_153, %mul3A_152] : memref<2x6400000xi32, #tpu.memory_space<hbm>> -> memref<2x3200xi32, #tpu.memory_space<hbm>>
        %dma_start3A_155 = arith.constant 0 : i32
        %dma_start3A_156 = tpu.memref_slice %arg3[%dma_start3A_155, %mul3A_152] : memref<2x6400000xi32, #tpu.memory_space<hbm>> -> memref<2x3200xi32, #tpu.memory_space<hbm>>
        tpu.enqueue_dma source(%dma_start3A_156 : memref<2x3200xi32, #tpu.memory_space<hbm>>) target(%arg7 : memref<2x3200xi32, #tpu.memory_space<vmem>>) target_semaphore(%arg12 : memref<!tpu.dma_semaphore, #tpu.memory_space<semaphore_mem>>)
        %dma_start3A_157 = tpu.memref_slice %arg2[%mul3A_152] : memref<6400000xf32, #tpu.memory_space<hbm>> -> memref<3200xf32, #tpu.memory_space<hbm>>
        %dma_start3A_158 = tpu.memref_slice %arg2[%mul3A_152] : memref<6400000xf32, #tpu.memory_space<hbm>> -> memref<3200xf32, #tpu.memory_space<hbm>>
        tpu.enqueue_dma source(%dma_start3A_158 : memref<3200xf32, #tpu.memory_space<hbm>>) target(%arg9 : memref<3200xf32, #tpu.memory_space<vmem>>) target_semaphore(%arg12 : memref<!tpu.dma_semaphore, #tpu.memory_space<semaphore_mem>>)
      } else {
      }
      %parallel_loop3A = arith.constant 0 : i32
      %parallel_loop3A_123 = arith.constant 200 : i32
      %parallel_loop3A_124 = arith.constant 1 : i32
      %parallel_loop3A_125 = scf.for %parallel_loop3A_146 = %parallel_loop3A to %parallel_loop3A_123 step %parallel_loop3A_124 iter_args(%parallel_loop3A_147 = %while3A_105) -> (vector<16xf32>)  : i32 {
        %parallel_loop3A_148 = arith.constant 16 : i32
        %parallel_loop3A_149 = arith.muli %parallel_loop3A_146, %parallel_loop3A_148 : i32
        %parallel_loop3A_150 = vector.broadcast %parallel_loop3A_149 : i32 to vector<16xi32>
        %parallel_loop3A_151 = arith.addi %parallel_loop3A_150, %iota3A : vector<16xi32>
        %parallel_loop3A_152 = tpu.vector_load_idx %arg7[%broadcast_in_dim3A_23, %parallel_loop3A_151] : memref<2x3200xi32, #tpu.memory_space<vmem>>[vector<16xi32>, vector<16xi32>], vector<16xi32>,
        %parallel_loop3A_153 = tpu.vector_load_idx %arg7[%broadcast_in_dim3A_25, %parallel_loop3A_151] : memref<2x3200xi32, #tpu.memory_space<vmem>>[vector<16xi32>, vector<16xi32>], vector<16xi32>,
        %parallel_loop3A_154 = arith.constant 16 : i32
        %parallel_loop3A_155 = arith.muli %parallel_loop3A_146, %parallel_loop3A_154 : i32
        %parallel_loop3A_156 = arith.index_cast %parallel_loop3A_155 : i32 to index
        %parallel_loop3A_157 = tpu.vector_load %arg9[%parallel_loop3A_156] {strides = array<i32>} : memref<3200xf32, #tpu.memory_space<vmem>>, vector<16xf32>,
        %parallel_loop3A_158 = tpu.vector_load_idx %arg6[%parallel_loop3A_152] : memref<100000xi32, #tpu.memory_space<vmem>>[vector<16xi32>], vector<16xi32>,
        %parallel_loop3A_159 = tpu.vector_load_idx %arg6[%parallel_loop3A_153] : memref<100000xi32, #tpu.memory_space<vmem>>[vector<16xi32>], vector<16xi32>,
        %parallel_loop3A_160 = arith.cmpi eq, %parallel_loop3A_158, %parallel_loop3A_159 : vector<16xi32>
        %parallel_loop3A_161 = arith.constant 1.000000e+00 : f32
        %parallel_loop3A_162 = arith.constant 0.000000e+00 : f32
        %parallel_loop3A_163 = vector.broadcast %parallel_loop3A_161 : f32 to vector<16xf32>
        %parallel_loop3A_164 = vector.broadcast %parallel_loop3A_162 : f32 to vector<16xf32>
        %parallel_loop3A_165 = arith.select %parallel_loop3A_160, %parallel_loop3A_163, %parallel_loop3A_164 : vector<16xi1>, vector<16xf32>
        %parallel_loop3A_166 = arith.subf %parallel_loop3A_165, %parallel_loop3A_157 : vector<16xf32>
        %parallel_loop3A_167 = arith.mulf %parallel_loop3A_166, %parallel_loop3A_166 : vector<16xf32>
        %parallel_loop3A_168 = arith.addf %parallel_loop3A_147, %parallel_loop3A_167 : vector<16xf32>
        scf.yield %parallel_loop3A_168 : vector<16xf32>
      } {sc.loop_unroll_factor = 8 : i64, sc.parallel_access}
      %dma_wait3A_126 = arith.constant 0 : i32
      %dma_wait3A_127 = arith.constant 0 : i32
      %dma_wait3A_128 = tpu.memref_slice %arg3[%dma_wait3A_126, %dma_wait3A_127] : memref<2x6400000xi32, #tpu.memory_space<hbm>> -> memref<2x3200xi32, #tpu.memory_space<hbm>>
      %dma_wait3A_129 = arith.constant 0 : i32
      %dma_wait3A_130 = arith.constant 0 : i32
      %dma_wait3A_131 = tpu.memref_slice %arg3[%dma_wait3A_129, %dma_wait3A_130] : memref<2x6400000xi32, #tpu.memory_space<hbm>> -> memref<2x3200xi32, #tpu.memory_space<hbm>>
      tpu.wait_dma2 semaphore(%arg13 : memref<!tpu.dma_semaphore, #tpu.memory_space<semaphore_mem>>) src(%dma_wait3A_131 : memref<2x3200xi32, #tpu.memory_space<hbm>>) dst(%arg8 : memref<2x3200xi32, #tpu.memory_space<vmem>>)
      %dma_wait3A_132 = arith.constant 0 : i32
      %dma_wait3A_133 = tpu.memref_slice %arg2[%dma_wait3A_132] : memref<6400000xf32, #tpu.memory_space<hbm>> -> memref<3200xf32, #tpu.memory_space<hbm>>
      %dma_wait3A_134 = arith.constant 0 : i32
      %dma_wait3A_135 = tpu.memref_slice %arg2[%dma_wait3A_134] : memref<6400000xf32, #tpu.memory_space<hbm>> -> memref<3200xf32, #tpu.memory_space<hbm>>
      tpu.wait_dma2 semaphore(%arg13 : memref<!tpu.dma_semaphore, #tpu.memory_space<semaphore_mem>>) src(%dma_wait3A_135 : memref<3200xf32, #tpu.memory_space<hbm>>) dst(%arg10 : memref<3200xf32, #tpu.memory_space<vmem>>)
      %add3A_136 = arith.constant 3 : i32
      %add3A_137 = arith.addi %mul3A_107, %add3A_136 : i32
      %lt3A_138 = arith.cmpi slt, %add3A_137, %select_n3A : i32
      %convert_element_type3A_139 = arith.extui %lt3A_138 : i1 to i32
      %cond3A_140 = arith.constant 0 : i32
      %cond3A_141 = arith.cmpi ne, %convert_element_type3A_139, %cond3A_140 : i32
      scf.if %cond3A_141 {
        %add3A_146 = arith.constant 3 : i32
        %add3A_147 = arith.addi %mul3A_107, %add3A_146 : i32
        %mul3A_148 = arith.constant 32 : i32
        %mul3A_149 = arith.muli %mul3A_148, %add3A_147 : i32
        %add3A_150 = arith.addi %add3A, %mul3A_149 : i32
        %mul3A_151 = arith.constant 3200 : i32
        %mul3A_152 = arith.muli %add3A_150, %mul3A_151 : i32
        %dma_start3A_153 = arith.constant 0 : i32
        %dma_start3A_154 = tpu.memref_slice %arg3[%dma_start3A_153, %mul3A_152] : memref<2x6400000xi32, #tpu.memory_space<hbm>> -> memref<2x3200xi32, #tpu.memory_space<hbm>>
        %dma_start3A_155 = arith.constant 0 : i32
        %dma_start3A_156 = tpu.memref_slice %arg3[%dma_start3A_155, %mul3A_152] : memref<2x6400000xi32, #tpu.memory_space<hbm>> -> memref<2x3200xi32, #tpu.memory_space<hbm>>
        tpu.enqueue_dma source(%dma_start3A_156 : memref<2x3200xi32, #tpu.memory_space<hbm>>) target(%arg8 : memref<2x3200xi32, #tpu.memory_space<vmem>>) target_semaphore(%arg13 : memref<!tpu.dma_semaphore, #tpu.memory_space<semaphore_mem>>)
        %dma_start3A_157 = tpu.memref_slice %arg2[%mul3A_152] : memref<6400000xf32, #tpu.memory_space<hbm>> -> memref<3200xf32, #tpu.memory_space<hbm>>
        %dma_start3A_158 = tpu.memref_slice %arg2[%mul3A_152] : memref<6400000xf32, #tpu.memory_space<hbm>> -> memref<3200xf32, #tpu.memory_space<hbm>>
        tpu.enqueue_dma source(%dma_start3A_158 : memref<3200xf32, #tpu.memory_space<hbm>>) target(%arg10 : memref<3200xf32, #tpu.memory_space<vmem>>) target_semaphore(%arg13 : memref<!tpu.dma_semaphore, #tpu.memory_space<semaphore_mem>>)
      } else {
      }
      %parallel_loop3A_142 = arith.constant 0 : i32
      %parallel_loop3A_143 = arith.constant 200 : i32
      %parallel_loop3A_144 = arith.constant 1 : i32
      %parallel_loop3A_145 = scf.for %parallel_loop3A_146 = %parallel_loop3A_142 to %parallel_loop3A_143 step %parallel_loop3A_144 iter_args(%parallel_loop3A_147 = %parallel_loop3A_125) -> (vector<16xf32>)  : i32 {
        %parallel_loop3A_148 = arith.constant 16 : i32
        %parallel_loop3A_149 = arith.muli %parallel_loop3A_146, %parallel_loop3A_148 : i32
        %parallel_loop3A_150 = vector.broadcast %parallel_loop3A_149 : i32 to vector<16xi32>
        %parallel_loop3A_151 = arith.addi %parallel_loop3A_150, %iota3A : vector<16xi32>
        %parallel_loop3A_152 = tpu.vector_load_idx %arg8[%broadcast_in_dim3A_23, %parallel_loop3A_151] : memref<2x3200xi32, #tpu.memory_space<vmem>>[vector<16xi32>, vector<16xi32>], vector<16xi32>,
        %parallel_loop3A_153 = tpu.vector_load_idx %arg8[%broadcast_in_dim3A_25, %parallel_loop3A_151] : memref<2x3200xi32, #tpu.memory_space<vmem>>[vector<16xi32>, vector<16xi32>], vector<16xi32>,
        %parallel_loop3A_154 = arith.constant 16 : i32
        %parallel_loop3A_155 = arith.muli %parallel_loop3A_146, %parallel_loop3A_154 : i32
        %parallel_loop3A_156 = arith.index_cast %parallel_loop3A_155 : i32 to index
        %parallel_loop3A_157 = tpu.vector_load %arg10[%parallel_loop3A_156] {strides = array<i32>} : memref<3200xf32, #tpu.memory_space<vmem>>, vector<16xf32>,
        %parallel_loop3A_158 = tpu.vector_load_idx %arg6[%parallel_loop3A_152] : memref<100000xi32, #tpu.memory_space<vmem>>[vector<16xi32>], vector<16xi32>,
        %parallel_loop3A_159 = tpu.vector_load_idx %arg6[%parallel_loop3A_153] : memref<100000xi32, #tpu.memory_space<vmem>>[vector<16xi32>], vector<16xi32>,
        %parallel_loop3A_160 = arith.cmpi eq, %parallel_loop3A_158, %parallel_loop3A_159 : vector<16xi32>
        %parallel_loop3A_161 = arith.constant 1.000000e+00 : f32
        %parallel_loop3A_162 = arith.constant 0.000000e+00 : f32
        %parallel_loop3A_163 = vector.broadcast %parallel_loop3A_161 : f32 to vector<16xf32>
        %parallel_loop3A_164 = vector.broadcast %parallel_loop3A_162 : f32 to vector<16xf32>
        %parallel_loop3A_165 = arith.select %parallel_loop3A_160, %parallel_loop3A_163, %parallel_loop3A_164 : vector<16xi1>, vector<16xf32>
        %parallel_loop3A_166 = arith.subf %parallel_loop3A_165, %parallel_loop3A_157 : vector<16xf32>
        %parallel_loop3A_167 = arith.mulf %parallel_loop3A_166, %parallel_loop3A_166 : vector<16xf32>
        %parallel_loop3A_168 = arith.addf %parallel_loop3A_147, %parallel_loop3A_167 : vector<16xf32>
        scf.yield %parallel_loop3A_168 : vector<16xf32>
      } {sc.loop_unroll_factor = 8 : i64, sc.parallel_access}
      scf.yield %parallel_loop3A_145 : vector<16xf32>
    }
    %swap3A = arith.constant 0 : index
    %swap3A_83 = tpu.vector_load %arg11[%swap3A] {strides = array<i32>} : memref<16xf32, #tpu.memory_space<vmem>>, vector<16xf32>,
    tpu.vector_store %arg11[%swap3A], %while3A_82 {strides = array<i32>} : memref<16xf32, #tpu.memory_space<vmem>>, vector<16xf32>,
    %jit3A_84 = arith.constant 2 : i32
    %eq3A_85 = arith.constant 0 : i32
    %eq3A_86 = arith.cmpi eq, %jit3A_84, %eq3A_85 : i32
    %jit3A_87 = arith.constant 1 : i32
    %select_n3A_88 = arith.select %eq3A_86, %jit3A_87, %jit3A_84 : i32
    %rem3A_89 = arith.remsi %select_n3A, %select_n3A_88 : i32
    %ne3A_90 = arith.constant 0 : i32
    %ne3A_91 = arith.cmpi ne, %rem3A_89, %ne3A_90 : i32
    %lt3A = arith.constant 0 : i32
    %lt3A_92 = arith.cmpi slt, %rem3A_89, %lt3A : i32
    %lt3A_93 = arith.constant 0 : i32
    %lt3A_94 = arith.cmpi slt, %select_n3A_88, %lt3A_93 : i32
    %ne3A_95 = arith.xori %lt3A_92, %lt3A_94 : i1
    %and3A_96 = arith.andi %ne3A_95, %ne3A_91 : i1
    %add3A_97 = arith.addi %rem3A_89, %select_n3A_88 : i32
    %select_n3A_98 = arith.select %and3A_96, %add3A_97, %rem3A_89 : i32
    %eq3A_99 = arith.constant 1 : i32
    %eq3A_100 = arith.cmpi eq, %select_n3A_98, %eq3A_99 : i32
    %convert_element_type3A_101 = arith.extui %eq3A_100 : i1 to i32
    %cond3A_102 = arith.constant 0 : i32
    %cond3A_103 = arith.cmpi ne, %convert_element_type3A_101, %cond3A_102 : i32
    scf.if %cond3A_103 {
      %dma_wait3A = arith.constant 0 : i32
      %dma_wait3A_104 = arith.constant 0 : i32
      %dma_wait3A_105 = tpu.memref_slice %arg3[%dma_wait3A, %dma_wait3A_104] : memref<2x6400000xi32, #tpu.memory_space<hbm>> -> memref<2x3200xi32, #tpu.memory_space<hbm>>
      %dma_wait3A_106 = arith.constant 0 : i32
      %dma_wait3A_107 = arith.constant 0 : i32
      %dma_wait3A_108 = tpu.memref_slice %arg3[%dma_wait3A_106, %dma_wait3A_107] : memref<2x6400000xi32, #tpu.memory_space<hbm>> -> memref<2x3200xi32, #tpu.memory_space<hbm>>
      tpu.wait_dma2 semaphore(%arg12 : memref<!tpu.dma_semaphore, #tpu.memory_space<semaphore_mem>>) src(%dma_wait3A_108 : memref<2x3200xi32, #tpu.memory_space<hbm>>) dst(%arg7 : memref<2x3200xi32, #tpu.memory_space<vmem>>)
      %dma_wait3A_109 = arith.constant 0 : i32
      %dma_wait3A_110 = tpu.memref_slice %arg2[%dma_wait3A_109] : memref<6400000xf32, #tpu.memory_space<hbm>> -> memref<3200xf32, #tpu.memory_space<hbm>>
      %dma_wait3A_111 = arith.constant 0 : i32
      %dma_wait3A_112 = tpu.memref_slice %arg2[%dma_wait3A_111] : memref<6400000xf32, #tpu.memory_space<hbm>> -> memref<3200xf32, #tpu.memory_space<hbm>>
      tpu.wait_dma2 semaphore(%arg12 : memref<!tpu.dma_semaphore, #tpu.memory_space<semaphore_mem>>) src(%dma_wait3A_112 : memref<3200xf32, #tpu.memory_space<hbm>>) dst(%arg9 : memref<3200xf32, #tpu.memory_space<vmem>>)
      %get3A = arith.constant 0 : index
      %get3A_113 = tpu.vector_load %arg11[%get3A] {strides = array<i32>} : memref<16xf32, #tpu.memory_space<vmem>>, vector<16xf32>,
      %parallel_loop3A = arith.constant 0 : i32
      %parallel_loop3A_114 = arith.constant 200 : i32
      %parallel_loop3A_115 = arith.constant 1 : i32
      %parallel_loop3A_116 = scf.for %parallel_loop3A_119 = %parallel_loop3A to %parallel_loop3A_114 step %parallel_loop3A_115 iter_args(%parallel_loop3A_120 = %get3A_113) -> (vector<16xf32>)  : i32 {
        %parallel_loop3A_121 = arith.constant 16 : i32
        %parallel_loop3A_122 = arith.muli %parallel_loop3A_119, %parallel_loop3A_121 : i32
        %parallel_loop3A_123 = vector.broadcast %parallel_loop3A_122 : i32 to vector<16xi32>
        %parallel_loop3A_124 = arith.addi %parallel_loop3A_123, %iota3A : vector<16xi32>
        %parallel_loop3A_125 = tpu.vector_load_idx %arg7[%broadcast_in_dim3A_23, %parallel_loop3A_124] : memref<2x3200xi32, #tpu.memory_space<vmem>>[vector<16xi32>, vector<16xi32>], vector<16xi32>,
        %parallel_loop3A_126 = tpu.vector_load_idx %arg7[%broadcast_in_dim3A_25, %parallel_loop3A_124] : memref<2x3200xi32, #tpu.memory_space<vmem>>[vector<16xi32>, vector<16xi32>], vector<16xi32>,
        %parallel_loop3A_127 = arith.constant 16 : i32
        %parallel_loop3A_128 = arith.muli %parallel_loop3A_119, %parallel_loop3A_127 : i32
        %parallel_loop3A_129 = arith.index_cast %parallel_loop3A_128 : i32 to index
        %parallel_loop3A_130 = tpu.vector_load %arg9[%parallel_loop3A_129] {strides = array<i32>} : memref<3200xf32, #tpu.memory_space<vmem>>, vector<16xf32>,
        %parallel_loop3A_131 = tpu.vector_load_idx %arg6[%parallel_loop3A_125] : memref<100000xi32, #tpu.memory_space<vmem>>[vector<16xi32>], vector<16xi32>,
        %parallel_loop3A_132 = tpu.vector_load_idx %arg6[%parallel_loop3A_126] : memref<100000xi32, #tpu.memory_space<vmem>>[vector<16xi32>], vector<16xi32>,
        %parallel_loop3A_133 = arith.cmpi eq, %parallel_loop3A_131, %parallel_loop3A_132 : vector<16xi32>
        %parallel_loop3A_134 = arith.constant 1.000000e+00 : f32
        %parallel_loop3A_135 = arith.constant 0.000000e+00 : f32
        %parallel_loop3A_136 = vector.broadcast %parallel_loop3A_134 : f32 to vector<16xf32>
        %parallel_loop3A_137 = vector.broadcast %parallel_loop3A_135 : f32 to vector<16xf32>
        %parallel_loop3A_138 = arith.select %parallel_loop3A_133, %parallel_loop3A_136, %parallel_loop3A_137 : vector<16xi1>, vector<16xf32>
        %parallel_loop3A_139 = arith.subf %parallel_loop3A_138, %parallel_loop3A_130 : vector<16xf32>
        %parallel_loop3A_140 = arith.mulf %parallel_loop3A_139, %parallel_loop3A_139 : vector<16xf32>
        %parallel_loop3A_141 = arith.addf %parallel_loop3A_120, %parallel_loop3A_140 : vector<16xf32>
        scf.yield %parallel_loop3A_141 : vector<16xf32>
      } {sc.loop_unroll_factor = 8 : i64, sc.parallel_access}
      %swap3A_117 = arith.constant 0 : index
      %swap3A_118 = tpu.vector_load %arg11[%swap3A_117] {strides = array<i32>} : memref<16xf32, #tpu.memory_space<vmem>>, vector<16xf32>,
      tpu.vector_store %arg11[%swap3A_117], %parallel_loop3A_116 {strides = array<i32>} : memref<16xf32, #tpu.memory_space<vmem>>, vector<16xf32>,
    } else {
    }
    "tpu.region"() ({
      %run_scoped3A = tpu.sem_alloc : memref<!tpu.dma_semaphore, #tpu.memory_space<semaphore_mem>>
      %dma_start3A_104 = arith.constant 0 : i32
      %dma_start3A_105 = tpu.memref_slice %arg5[%add3A, %dma_start3A_104] : memref<32x16xf32, #tpu.memory_space<hbm>> -> memref<1x16xf32, #tpu.memory_space<hbm>>
      %dma_start3A_106 = tpu.memref_squeeze %dma_start3A_105 : memref<1x16xf32, #tpu.memory_space<hbm>> -> memref<16xf32, #tpu.memory_space<hbm>>
      %dma_start3A_107 = arith.constant 0 : i32
      %dma_start3A_108 = tpu.memref_slice %arg5[%add3A, %dma_start3A_107] : memref<32x16xf32, #tpu.memory_space<hbm>> -> memref<1x16xf32, #tpu.memory_space<hbm>>
      %dma_start3A_109 = tpu.memref_squeeze %dma_start3A_108 : memref<1x16xf32, #tpu.memory_space<hbm>> -> memref<16xf32, #tpu.memory_space<hbm>>
      tpu.enqueue_dma source(%arg11 : memref<16xf32, #tpu.memory_space<vmem>>) target(%dma_start3A_109 : memref<16xf32, #tpu.memory_space<hbm>>) target_semaphore(%run_scoped3A : memref<!tpu.dma_semaphore, #tpu.memory_space<semaphore_mem>>)
      %dma_wait3A = arith.constant 0 : i32
      %dma_wait3A_110 = tpu.memref_slice %arg5[%add3A, %dma_wait3A] : memref<32x16xf32, #tpu.memory_space<hbm>> -> memref<1x16xf32, #tpu.memory_space<hbm>>
      %dma_wait3A_111 = tpu.memref_squeeze %dma_wait3A_110 : memref<1x16xf32, #tpu.memory_space<hbm>> -> memref<16xf32, #tpu.memory_space<hbm>>
      %dma_wait3A_112 = arith.constant 0 : i32
      %dma_wait3A_113 = tpu.memref_slice %arg5[%add3A, %dma_wait3A_112] : memref<32x16xf32, #tpu.memory_space<hbm>> -> memref<1x16xf32, #tpu.memory_space<hbm>>
      %dma_wait3A_114 = tpu.memref_squeeze %dma_wait3A_113 : memref<1x16xf32, #tpu.memory_space<hbm>> -> memref<16xf32, #tpu.memory_space<hbm>>
      tpu.wait_dma2 semaphore(%run_scoped3A : memref<!tpu.dma_semaphore, #tpu.memory_space<semaphore_mem>>) src(%arg11 : memref<16xf32, #tpu.memory_space<vmem>>) dst(%dma_wait3A_114 : memref<16xf32, #tpu.memory_space<hbm>>)
      tpu.yield
    }) : () -> ()
    return
  }
}

</mosaic_0001>

<sc_bundles>
// kernel: kernel.3.cloned.1.call-start
scs
__scs_entry_jumppad:
0x0: {  	(pc) =	sbr.rel $0x88, $3  }
0x1: {  	(tag) =	ssettag $0x0;
	lr =	simm.s32 $0x1  }
0x2: {  	[smem:$0x3F9E] =	sst lr;
	_ =	strace $0xD0000000  }
0x3: {  	_ = 	snop  }
0x4: {  	_ = 	snop  }
0x5: {  	_ = 	snop  }
0x6: {  	_ = 	snop  }
0x7: {  	_ = 	snop  }
__scs_overlays_trampoline_lowered:
0x8: {  	[smem:$0x3FAD] =	sst s0  }
0x9: {  	[smem:$0x3FAE] =	sst s1  }
0xa: {  	[smem:$0x3FAF] =	sst s2  }
0xb: {  	[smem:$0x3FB0] =	sst s3  }
0xc: {  	[smem:$0x3FB1] =	sst s4  }
0xd: {  	[smem:$0x3FB2] =	sst s5  }
0xe: {  	[smem:$0x3FB3] =	sst s6  }
0xf: {  	[smem:$0x3FB4] =	sst s7  }
0x10: {  	[smem:$0x3FB5] =	sst s8  }
0x11: {  	[smem:$0x3FB6] =	sst s9;
	s0 =	simm.s32 @!p0 $0x0  }
0x12: {  	s1 =	sld [smem:$0x3F9C];
	s0 =	simm.s32 @p0 $0x1  }
0x13: {  	[smem:$0x3FB7] =	sst s0;
	s0 =	simm.s32 @!p1 $0x0  }
0x14: {  	s2 =	sld [smem:$0x3F9B];
	s0 =	simm.s32 @p1 $0x1  }
0x15: {  	[smem:$0x3FB8] =	sst s0;
	s0 =	simm.s32 @!p2 $0x0  }
0x16: {  	s3 =	sld [smem:$0x3FDB];
	s0 =	simm.s32 @p2 $0x1  }
0x17: {  	s4 =	simm.s32 $0x1BF5;
	[smem:$0x3FBA] =	sst s0  }
0x18: {  	s0 =	sld [smem:$0x3F9D];
	_ =	swait.ge [sflag:s4], $0x0  }
0x19: {  	s7 =	sld [smem:$0x3F9E]  }
0x1a: {  	s8 =	sadd.s32 $0xFFFFE003, lr  }
0x1b: {  	s9 =	sadd.s32 $0xFFFFFEF7, lr;
	s5 =	simm.s32 $0xFFFFFFFF;
	p2 =	slt.u32 s8, $0xFFFFF086  }
0x1c: {  	p1 =	slt.u32 s9, $0xF7A;
	s5 =	simm.s32 @!p2 $0x0  }
0x1d: {  	s5 =	simm.s32 @p1 $0x1;
	p0 =	seq.s32 s7, s2  }
0x1e: {  	s7 =	smul.u32 @!p0 $0xF7A, s2;
	p2 =	seq.s32 @!p0 s5, $0x0  }
0x1f: {  	s9 =	smul.u32 $0xF7A, s1;
	s8 =	simm.s32 @!p0 $0x1BF5;
	p2 =	por !p2, p0  }
0x20: {  	[sflag:s8] =	ssyncset.s32 @!p0 $0xFFFFF086;
	s6 =	sadd.s32 @!p0 s3, s7;
	s7 =	simm.s32 @!p0 $0x108  }
0x21: {  	s3 =	sadd.s32 s3, s9;
	s6 =	sadd.s32 @!p0 $0x88, s6;
	s7 =	simm.s32 @p2 $0x1082  }
0x22: {  	[simem:s7], [sflag:s8] =	dma.local @!p0 [hbm:s6], $0xF7A  }
0x23: {  	s9 =	sor.u32 $0xD0000000, s2;
	s6 =	simm.s32 $0x108;
	_ =	swait.ge @!p0 [sflag:s8], $0x0  }
0x24: {  	s3 =	sadd.s32 $0x88, s3;
	s6 =	simm.s32 @!p1 $0x1082;
	[sflag:s4] =	ssyncset.s32 $0xFFFFF086  }
0x25: {  	[simem:s6], [sflag:s4] =	dma.local [hbm:s3], $0xF7A  }
0x26: {  	[smem:$0x3F9E] =	sst s1;
	(tag) =	ssettag s2;
	_ =	strace s9  }
0x27: {  	s1 =	sld [smem:$0x3FAE]  }
0x28: {  	s2 =	sld [smem:$0x3FAF]  }
0x29: {  	s4 =	sld [smem:$0x3FB1]  }
0x2a: {  	p0 =	seq.s32 s5, $0x0;
	s5 =	sld [smem:$0x3FB2]  }
0x2b: {  	s6 =	sld [smem:$0x3FB3]  }
0x2c: {  	s7 =	sld [smem:$0x3FB4]  }
0x2d: {  	s3 =	simm.s32 $0x108;
	s8 =	sld [smem:$0x3FB5]  }
0x2e: {  	s3 =	simm.s32 @!p0 $0x1082;
	s9 =	sld [smem:$0x3FB6]  }
0x2f: {  	lr =	sadd.s32 s0, s3;
	s0 =	sld [smem:$0x3FAD]  }
0x30: {  	s3 =	sld [smem:$0x3FB0]  }
0x31: {  	[smem:$0x3FB9] =	sst s10  }
0x32: {  	s10 =	sld [smem:$0x3FB7];
	_ =	sdelay $0x3  }
0x33: {  	p0 =	seq.s32 s10, $0x1;
	s10 =	sld [smem:$0x3FB9];
	_ =	sdelay $0x3  }
0x34: {  	[smem:$0x3FB9] =	sst s10  }
0x35: {  	s10 =	sld [smem:$0x3FB8];
	_ =	sdelay $0x3  }
0x36: {  	p1 =	seq.s32 s10, $0x1;
	s10 =	sld [smem:$0x3FB9];
	_ =	sdelay $0x3  }
0x37: {  	[smem:$0x3FB9] =	sst s10  }
0x38: {  	s10 =	sld [smem:$0x3FBA]  }
0x39: {  	_ = 	snop;
	(pc) =	sbr.ind lr, $3  }
0x3a: {  	_ = 	snop  }
0x3b: {  	_ = 	snop  }
0x3c: {  	p2 =	seq.s32 s10, $0x1;
	s10 =	sld [smem:$0x3FB9]  }
0x3d: {  	_ =	shalt  }
0x3e: {  	_ =	shalt  }
0x3f: {  	_ =	shalt  }
0x40: {  	_ =	shalt  }
0x41: {  	_ =	shalt  }
0x42: {  	_ =	shalt  }
0x43: {  	_ =	shalt  }
0x44: {  	_ =	shalt  }
0x45: {  	_ =	shalt  }
0x46: {  	_ =	shalt  }
0x47: {  	_ =	shalt  }
0x48: {  	_ =	shalt  }
0x49: {  	_ =	shalt  }
0x4a: {  	_ =	shalt  }
0x4b: {  	_ =	shalt  }
0x4c: {  	_ =	shalt  }
0x4d: {  	_ =	shalt  }
0x4e: {  	_ =	shalt  }
0x4f: {  	_ =	shalt  }
0x50: {  	_ =	shalt  }
0x51: {  	_ =	shalt  }
0x52: {  	_ =	shalt  }
0x53: {  	_ =	shalt  }
0x54: {  	_ =	shalt  }
0x55: {  	_ =	shalt  }
0x56: {  	_ =	shalt  }
0x57: {  	_ =	shalt  }
0x58: {  	_ =	shalt  }
0x59: {  	_ =	shalt  }
0x5a: {  	_ =	shalt  }
0x5b: {  	_ =	shalt  }
0x5c: {  	_ =	shalt  }
0x5d: {  	_ =	shalt  }
0x5e: {  	_ =	shalt  }
0x5f: {  	_ =	shalt  }
0x60: {  	_ =	shalt  }
0x61: {  	_ =	shalt  }
0x62: {  	_ =	shalt  }
0x63: {  	_ =	shalt  }
0x64: {  	_ =	shalt  }
0x65: {  	_ =	shalt  }
0x66: {  	_ =	shalt  }
0x67: {  	_ =	shalt  }
0x68: {  	_ =	shalt  }
0x69: {  	_ =	shalt  }
0x6a: {  	_ =	shalt  }
0x6b: {  	_ =	shalt  }
0x6c: {  	_ =	shalt  }
0x6d: {  	_ =	shalt  }
0x6e: {  	_ =	shalt  }
0x6f: {  	_ =	shalt  }
0x70: {  	_ =	shalt  }
0x71: {  	_ =	shalt  }
0x72: {  	_ =	shalt  }
0x73: {  	_ =	shalt  }
0x74: {  	_ =	shalt  }
0x75: {  	_ =	shalt  }
0x76: {  	_ =	shalt  }
0x77: {  	_ =	shalt  }
0x78: {  	_ =	shalt  }
0x79: {  	_ =	shalt  }
0x7a: {  	_ =	shalt  }
0x7b: {  	_ =	shalt  }
0x7c: {  	_ =	shalt  }
0x7d: {  	_ =	shalt  }
0x7e: {  	_ =	shalt  }
0x7f: {  	_ =	shalt  }
0x80: {  	_ =	shalt  }
0x81: {  	_ =	shalt  }
0x82: {  	_ =	shalt  }
0x83: {  	_ =	shalt  }
0x84: {  	_ =	shalt  }
0x85: {  	_ =	shalt  }
0x86: {  	_ =	shalt  }
0x87: {  	_ =	shalt  }
.Lfunc_end0:
.L_simem_size_0:
called_computation_lowered:
.L_overlay_start_0:
0x88: {  	s2 =	sld [smem:$0x3FD9]  }
0x89: {  	s3 =	sld [smem:$0x3FFE];
	_ =	sdelay $0x1  }
0x8a: {  	s1 =	srdreg.scid  }
0x8b: {  	s0 =	sand.u32 $0x1, s1  }
0x8c: {  	s17 =	sshll.u32 s0, $0xA;
	s2 =	sadd.s32 s3, s2  }
0x8d: {  	s2 =	sadd.s32 s2, s17  }
0x8e: {  	[smem:$0x3FC5] =	sst s2  }
0x8f: {  	_ = 	snop  }
0x90: {  	s2 =	sld [smem:$0x3FC9]  }
0x91: {  	s18 =	sld [smem:$0x3FC8]  }
0x92: {  	s4 =	sld [smem:$0x3FC7];
	(tm) =	ssettm $0x1  }
0x93: {  	s5 =	sld [smem:$0x3FFB];
	_ =	sdelay $0x3  }
0x94: {  	_ =	strace s5  }
0x95: {  	s5 =	sld [smem:$0x3FFC];
	_ =	sdelay $0x3  }
0x96: {  	_ =	strace s5  }
0x97: {  	s5 =	sld [smem:$0x3FFD];
	_ =	sdelay $0x3  }
0x98: {  	_ =	strace s5  }
0x99: {  	_ =	strace $0x8FFFFFFF  }
0x9a: {  	s19 =	sld [smem:$0x3FDB];
	_ =	sdelay $0x1  }
0x9b: {  	s6 =	simm.s32 $_scs_section_size  }
0x9c: {  	s7 =	simm.s32 $_size__tile_overlayer_lowered;
	s8 =	simm.s32 $_tile_overlayer_lowered  }
0x9d: {  	s22 =	simm.s32 $0x1BFF;
	s21 =	sshll.u32 s8, $0x1;
	s5 =	sadd.s32 s6, s19  }
0x9e: {  	s9 =	simm.s32 $0x0;
	s20 =	sshll.u32 s7, $0x1;
	s7 =	sadd.s32 s21, s5  }
0x9f: {  	[timem:s9], [sflag:s22] =	dma.local [hbm:s7], s20  }
0xa0: {  	_ =	swait.ge [sflag:s22], s20  }
0xa1: {  	s6 =	ssub.s32 $0x0, s20;
	[sflag:s22] =	ssyncset.done $0x0  }
0xa2: {  	[sflag:s22] =	ssyncadd.s32 s6;
	_ =	sdelay $0x1  }
0xa3: {  	s23 =	simm.s32 $0x1B8B  }
0xa4: {  	_ =	swait.ge [sflag:s23], $0x1  }
0xa5: {  	[sflag:s23] =	ssyncset.done $0x0  }
0xa6: {  	s25 =	simm.s32 $0x1B8E;
	s24 =	sld [smem:$0x3FFE];
	[sflag:s23] =	ssyncadd.s32 $0xFFFFFFFF  }
0xa7: {  	s26 =	simm.s32 $execute0_lowered;
	[smem:$0x3FD2] =	sst s25  }
0xa8: {  	s7 =	sshll.u32 s26, $0x1;
	_ =	strace $0x80000046;
	[dreg:$0x1] =	wrdreg $0xFFFFFFFF  }
0xa9: {  	s28 =	simm.s32 $_size_execute0_lowered;
	s5 =	sadd.s32 s5, s7;
	[dreg:$0x0] =	wrdreg $0x0  }
0xaa: {  	s7 =	sshll.u32 s28, $0x1;
	[dreg:$0x2] =	wrdreg s5  }
0xab: {  	[dreg:$0x3] =	wrdreg s7  }
0xac: {  	[dreg:$0x4] =	wrdreg $0xC0  }
0xad: {  	_ =	task [dreg:s9], $0x5FFFF  }
0xae: {  	[dreg:$0x1] =	wrdreg $0xFFFFFFFF  }
0xaf: {  	[dreg:$0x0] =	wrdreg $0x60  }
0xb0: {  	[dreg:$0x2] =	wrdreg s2  }
0xb1: {  	[dreg:$0x3] =	wrdreg s18  }
0xb2: {  	[dreg:$0x4] =	wrdreg s4  }
0xb3: {  	[dreg:$0x5] =	wrdreg s24  }
0xb4: {  	[dreg:$0x6] =	wrdreg $0x1D2800  }
0xb5: {  	[dreg:$0x7] =	wrdreg $0x9  }
0xb6: {  	_ =	task.clear_ibuf [dreg:s9], $0x8FFFF;
	_ =	strace $0x90000046  }
0xb7: {  	s29 =	simm.s32 $0x9;
	_ =	strace $0x80000048  }
0xb8: {  	_ =	swait.ge [sflag:s29], $0x1  }
0xb9: {  	[sflag:s29] =	ssyncadd.s32 $0xFFFFFFFF  }
0xba: {  	_ =	strace $0x90000048  }
0xbb: {  	_ =	sfence  }
0xbc: {  	s30 =	sld [smem:$0x0];
	_ =	sdelay $0x2  }
0xbd: {  	s31 =	sshll.u32 s1, $0xD;
	s1 =	sshrl.u32 s1, $0x2  }
0xbe: {  	s3 =	sand.u32 $0x4000, s31;
	s1 =	sadd.s32 s1, s30  }
0xbf: {  	s0 =	sor.u32 s3, s0;
	s1 =	sshll.u32 s1, $0x11  }
0xc0: {  	s0 =	sor.u32 s1, s0  }
0xc1: {  	s0 =	sadd.s32 $0x8F2B, s0  }
0xc2: {  	[sflag:s0] =	ssyncadd.remote.s32 $0x1  }
0xc3: {  	_ =	sfence.sel $0xFFFF  }
0xc4: {  	[dreg:$0x0] =	wrdreg $0xFFFFFFFF;
	(pc) =	sbr.abs _section_cstart, $3  }
0xc5: {  	[dreg:$0x1] =	wrdreg $0xFFFFFFFF  }
0xc6: {  	_ =	task.clear_ibuf [dreg:s9], $0x2FFFF;
	_ =	strace $0x9FFFFFFF  }
0xc7: {  	(tm) =	ssettm $0x7FFFFFFF  }
tec
execute0_lowered:
.L_overlay_start_1:
0x0: {  	(tag) =	ssettag $0x1  }
0x1: {  	s0 =	rddreg [dreg:$0x0]  }
0x2: {  	s1 =	rddreg [dreg:$0x1]  }
0x3: {  	s2 =	rddreg [dreg:$0x2]  }
0x4: {  	s12 =	rddreg [dreg:$0x3];
	s3 =	srdreg.scid  }
0x5: {  	s14 =	stileid.u32;
	s4 =	rddreg [dreg:$0x4];
	s5 =	simm.s32 $0x0  }
0x6: {  	s17 =	simm.s32 $0x1C580;
	s19 =	simm.s32 $0x3;
	s20 =	simm.s32 $0x1  }
0x7: {  	s21 =	simm.s32 $0x2;
	s23 =	simm.s32 $0x0;
	s31 =	simm.s32 $0x0  }
0x8: {  	s7 =	sand.u32 $0x1, s3;
	s6 =	sshll.u32 s14, $0x1;
	s3 =	rddreg [dreg:$0x5]  }
0x9: {  	[smem:$0x7FF] =	sst s5;
	p0 =	sne.s32 s14, $0x0;
	s6 =	sor.u32 s7, s6  }
0xa: {  	s14 =	simm.s32 $0x18700;
	s7 =	ssub.s32 $0x2, s7;
	s8 =	smul.u32 $0x320, s6  }
0xb: {  	_ =	strace $0x80000047;
	s18 =	sshrl.u32 @!p0 s4, $0x3;
	s10 =	smul.u32 $0xC80, s6  }
0xc: {  	s9 =	sshrl.u32 s7, $0x1;
	s15 =	ssub.s32 $0x7EF, s6;
	s29 =	smul.u32 $0x190, s6  }
0xd: {  	v0 =	vlaneseq.u32;
	v2 =	vimm.f32 $0.0e+00;
	s30 =	sshll.u32 s6, $0x4;
	s13 =	ssub.s32 s7, s9;
	s7 =	sshrl.u32 s15, $0x5  }
.Ltmp0:
0xe: {  	v1 =	vor.u32 $0x80, v0;
	v3 =	vor.u32 $0x10, v0;
	v4 =	vor.u32 $0x90, v0;
	s22 =	sand.u32 $0x20, s15;
	s12 =	sadd.s32 s12, s30;
	(pc) =	sbr.rel .LBB2_1-.Ltmp0, $4  }
0xf: {  	v5 =	vor.u32 $0x20, v0;
	v6 =	vor.u32 $0xA0, v0;
	v7 =	vor.u32 $0x30, v0;
	s15 =	simm.s32 $0x1B900;
	s8 =	sadd.s32 s1, s8;
	s10 =	sadd.s32 $0x19000, s10  }
0x10: {  	v8 =	vor.u32 $0xB0, v0;
	v9 =	vor.u32 $0x40, v0;
	v10 =	vor.u32 $0xC0, v0;
	s9 =	sadd.s32 s0, s29;
	s13 =	smax.u32 s13, $0x1;
	p1 =	seq.s32 s22, $0x0  }
0x11: {  	v11 =	vor.u32 $0x50, v0;
	v12 =	vor.u32 $0xD0, v0;
	v13 =	vor.u32 $0x60, v0;
	s22 =	simm.s32 $0x1D200;
	s11 =	sshrl.u32 s10, $0x2;
	s16 =	sshrl.u32 s10, $0x3  }
0x12: {  	v14 =	vor.u32 $0xE0, v0;
	v15 =	vor.u32 $0x70, v0;
	v16 =	vor.u32 $0xF0, v0;
	s10 =	sadd.s32 s1, s11;
	s11 =	sadd.s32 s0, s16;
	s16 =	simm.s32 $0x1A000  }
.LBB2_11:
0x13: {  	s23 =	sadd.s32 $0x1, s23  }
0x14: {  	p2 =	sne.s32 s23, s13  }
.Ltmp1:
0x15: {  	_ = 	snop;
	(pc) =	sbr.rel @!p2 .LBB2_12-.Ltmp1, $4  }
0x16: {  	[hbm4b:s12+s5] =	stream.linear.scatter [tilespmem:s22], [sflag:$0x3], $0x80, $0x38;
	[tilespmem:$0x1EAF0] =	vst v63  }
0x17: {  	_ =	swait.ge [sflag:s19], $0x80  }
0x18: {  	[sflag:s19] =	ssyncset.done $0x0  }
0x19: {  	[sflag:s19] =	ssyncadd.s32 $0xFFFFFF80  }
.LBB2_1:
0x1a: {  	[tilespmem:s14], [sflag:$0x1] =	stream.linear.gather [hbm4b:s8+s5], $0x1900, $0x38;
	[tilespmem:$0x1EAF0] =	vst v63  }
0x1b: {  	_ = 	snop  }
0x1c: {  	[tilespmem:s15], [sflag:$0x1] =	stream.linear.gather [hbm4b:s9+s5], $0xC80, $0x38;
	[tilespmem:$0x1EAF0] =	vst v63  }
0x1d: {  	_ = 	snop  }
0x1e: {  	[tilespmem:s16], [sflag:$0x2] =	stream.linear.gather [hbm4b:s10+s5], $0x1900, $0x38;
	[tilespmem:$0x1EAF0] =	vst v63  }
0x1f: {  	s24 =	simm.s32 @!p0 $0x1C03  }
0x20: {  	[tilespmem:s17], [sflag:$0x2] =	stream.linear.gather [hbm4b:s11+s5], $0xC80, $0x38;
	[tilespmem:$0x1EAF0] =	vst v63  }
0x21: {  	[spmem:s18], [sflag:s24] =	dma.local @!p0 [hbm:s2], $0x30E0  }
0x22: {  	s24 =	simm.s32 @!p0 $0x3  }
0x23: {  	_ =	swait.ge @!p0 [sflag:s24], $0x30E0  }
0x24: {  	[sflag:s24] =	ssyncset.done @!p0 $0x0  }
0x25: {  	[sflag:s24] =	ssyncadd.s32 @!p0 $0xFFFFCF20  }
0x26: {  	[bflag:$0x0] =	sbarrier.arrive $0xFFFF  }
0x27: {  	[tilespmem:s5], [sflag:$0x3] =	stream.linear.gather [spmem:s4], $0x18700, $0x38;
	[tilespmem:$0x1EAF0] =	vst v63  }
0x28: {  	_ =	swait.ge [sflag:s19], $0x18700  }
0x29: {  	[sflag:s19] =	ssyncset.done $0x0  }
0x2a: {  	v17 =	vimm.f32 $0.0e+00;
	s24 =	simm.s32 $0x0;
	[sflag:s19] =	ssyncadd.s32 $0xFFFE7900  }
.LBB2_2:
0x2b: {  	s25 =	sshll.u32 s24, $0x1  }
0x2c: {  	s26 =	sadd.s32 $0x2, s25  }
0x2d: {  	_ =	swait.ge [sflag:s20], $0x1900;
	p2 =	sge.u32 s26, s7  }
0x2e: {  	[sflag:s20] =	ssyncset.done $0x0;
	s26 =	sshll.u32 @!p2 s26, $0x5  }
0x2f: {  	[sflag:s20] =	ssyncadd.s32 $0xFFFFE700;
	s26 =	sor.u32 @!p2 s6, s26  }
0x30: {  	_ =	swait.ge [sflag:s20], $0xC80;
	s28 =	smul.u32 @!p2 $0x320, s26  }
0x31: {  	s29 =	simm.s32 @!p2 $0x0;
	s30 =	simm.s32 @!p2 $0x18700;
	[sflag:s20] =	ssyncset.done $0x0  }
0x32: {  	[sflag:s20] =	ssyncadd.s32 $0xFFFFF380;
	s26 =	smul.u32 @!p2 $0x190, s26;
	s28 =	sadd.s32 @!p2 s1, s28  }
0x33: {  	v18 =	vmov s31;
	[tilespmem:s30], [sflag:$0x1] =	stream.linear.gather @!p2 [hbm4b:s28+s29], $0x1900, $0x38;
	[tilespmem:$0x1EAF0] =	vst v63  }
0x34: {  	v18 =	vshrl.u32 v18, $0x7;
	s26 =	sadd.s32 @!p2 s0, s26;
	s28 =	simm.s32 @!p2 $0x1B900  }
0x35: {  	v18 =	vshll.u32 v18, $0x8;
	[tilespmem:s28], [sflag:$0x1] =	stream.linear.gather @!p2 [hbm4b:s26+s29], $0xC80, $0x38;
	[tilespmem:$0x1EAF0] =	vst v63  }
0x36: {  	v31 =	vbroadcast v18, $0x0;
	s26 =	simm.s32 $0x1B940  }
0x37: {  	v19 =	vld [tilespmem:s26+$0x10]  }
0x38: {  	v20 =	vor.u32 v15, v31;
	v18 =	vld [tilespmem:s26+$0x0]  }
0x39: {  	v22 =	vor.u32 v16, v31;
	v21 =	vld [tilespmem:s26+$0xFFFFFFF0]  }
0x3a: {  	v23 =	vor.u32 v13, v31;
	v24 =	vld [tilespmem:s26+$0xFFFFFFE0]  }
0x3b: {  	v25 =	vor.u32 v14, v31;
	v26 =	vld [tilespmem:s26+$0xFFFFFFD0]  }
0x3c: {  	v27 =	vor.u32 v11, v31;
	v30 =	vld [tilespmem:s26+$0xFFFFFFC0]  }
0x3d: {  	v28 =	vor.u32 v12, v31;
	v20 =	vld.idx.msk [tilespmem:v20+s14+$0x0], $0xffff  }
0x3e: {  	v29 =	vor.u32 v9, v31;
	v22 =	vld.idx.msk [tilespmem:v22+s14+$0x0], $0xffff  }
0x3f: {  	v32 =	vor.u32 v10, v31;
	v23 =	vld.idx.msk [tilespmem:v23+s14+$0x0], $0xffff  }
0x40: {  	v33 =	vor.u32 v7, v31;
	v25 =	vld.idx.msk [tilespmem:v25+s14+$0x0], $0xffff  }
0x41: {  	v34 =	vor.u32 v0, v31;
	v27 =	vld.idx.msk [tilespmem:v27+s14+$0x0], $0xffff  }
0x42: {  	v35 =	vor.u32 v1, v31;
	v28 =	vld.idx.msk [tilespmem:v28+s14+$0x0], $0xffff  }
0x43: {  	v36 =	vor.u32 v3, v31;
	v42 =	vld.idx.msk [tilespmem:v29+s14+$0x0], $0xffff  }
0x44: {  	v37 =	vor.u32 v4, v31;
	v29 =	vld.idx.msk [tilespmem:v32+s14+$0x0], $0xffff  }
0x45: {  	v61 =	vor.u32 v5, v31;
	v33 =	vld.idx.msk [tilespmem:v33+s14+$0x0], $0xffff  }
0x46: {  	v38 =	vor.u32 v6, v31;
	v34 =	vld.idx.msk [tilespmem:v34+s14+$0x0], $0xffff  }
0x47: {  	v31 =	vor.u32 v8, v31;
	v39 =	vld.idx.msk [tilespmem:v35+s14+$0x0], $0xffff  }
0x48: {  	v36 =	vld.idx.msk [tilespmem:v36+s14+$0x0], $0xffff  }
0x49: {  	v37 =	vld.idx.msk [tilespmem:v37+s14+$0x0], $0xffff  }
0x4a: {  	v32 =	vld.idx.msk [tilespmem:v61+s14+$0x0], $0xffff  }
0x4b: {  	v43 =	vld.idx.msk [tilespmem:v38+s14+$0x0], $0xffff  }
0x4c: {  	v31 =	vld.idx.msk [tilespmem:v31+s14+$0x0], $0xffff  }
0x4d: {  	v35 =	vld.idx.msk [tilespmem:v33+s5+$0x0], $0xffff  }
0x4e: {  	v62 =	vld.idx.msk [tilespmem:v34+s5+$0x0], $0xffff  }
0x4f: {  	v63 =	vld.idx.msk [tilespmem:v39+s5+$0x0], $0xffff  }
0x50: {  	v40 =	vld.idx.msk [tilespmem:v36+s5+$0x0], $0xffff  }
0x51: {  	v41 =	vld.idx.msk [tilespmem:v37+s5+$0x0], $0xffff  }
0x52: {  	v38 =	vld.idx.msk [tilespmem:v32+s5+$0x0], $0xffff  }
0x53: {  	v39 =	vld.idx.msk [tilespmem:v43+s5+$0x0], $0xffff  }
0x54: {  	v37 =	vld.idx.msk [tilespmem:v31+s5+$0x0], $0xffff  }
0x55: {  	s28 =	simm.s32 $0x0;
	s29 =	simm.s32 $0x80;
	v36 =	vld.idx.msk [tilespmem:v42+s5+$0x0], $0xffff;
	vm0 =	veq.s32 v62, v63  }
.LBB2_3:
0x56: {  	v31 =	vmov s29;
	v32 =	vsel vm0, $0x3F800000, v2;
	v29 =	vld.idx.msk [tilespmem:v29+s5+$0x0], $0xffff  }
0x57: {  	vm0 =	veq.s32 v40, v41;
	v31 =	vshrl.u32 v31, $0x7;
	v30 =	vsub.f32 v32, v30;
	v27 =	vld.idx.msk [tilespmem:v27+s5+$0x0], $0xffff  }
0x58: {  	v32 =	vsel vm0, $0x3F800000, v2;
	v31 =	vshll.u32 v31, $0x8;
	v28 =	vld.idx.msk [tilespmem:v28+s5+$0x0], $0xffff  }
0x59: {  	v26 =	vsub.f32 v32, v26;
	vm0 =	veq.s32 v38, v39;
	v30 =	vmul.f32 v30, v30;
	v23 =	vld.idx.msk [tilespmem:v23+s5+$0x0], $0xffff  }
0x5a: {  	v31 =	vbroadcast v31, $0x0;
	v32 =	vsel vm0, $0x3F800000, v2;
	vm0 =	veq.s32 v35, v37;
	v25 =	vld.idx.msk [tilespmem:v25+s5+$0x0], $0xffff  }
0x5b: {  	v26 =	vmul.f32 v26, v26;
	v24 =	vsub.f32 v32, v24;
	v17 =	vadd.f32 v30, v17;
	v20 =	vld.idx.msk [tilespmem:v20+s5+$0x0], $0xffff  }
0x5c: {  	v32 =	vor.u32 v15, v31;
	v30 =	vsel vm0, $0x3F800000, v2;
	vm0 =	veq.s32 v36, v29;
	v22 =	vld.idx.msk [tilespmem:v22+s5+$0x0], $0xffff  }
0x5d: {  	v24 =	vmul.f32 v24, v24;
	v21 =	vsub.f32 v30, v21;
	v17 =	vadd.f32 v26, v17;
	v29 =	vld [tilespmem:s26+$0x30]  }
0x5e: {  	v33 =	vor.u32 v16, v31;
	v26 =	vsel vm0, $0x3F800000, v2;
	vm0 =	veq.s32 v27, v28;
	v27 =	vld [tilespmem:s26+$0x20];
	s26 =	sadd.s32 $0x80, s26  }
0x5f: {  	v26 =	vsub.f32 v26, v18;
	v28 =	vld [tilespmem:s26+$0x10];
	v17 =	vadd.f32 v24, v17;
	v24 =	vmul.f32 v21, v21  }
0x60: {  	v34 =	vor.u32 v13, v31;
	v30 =	vsel vm0, $0x3F800000, v2;
	vm0 =	veq.s32 v23, v25;
	v18 =	vld [tilespmem:s26+$0x0]  }
0x61: {  	v37 =	vsub.f32 v30, v19;
	v23 =	vmul.f32 v26, v26;
	v21 =	vld [tilespmem:s26+$0xFFFFFFF0];
	v17 =	vadd.f32 v24, v17  }
0x62: {  	v25 =	vor.u32 v14, v31;
	v30 =	vsel vm0, $0x3F800000, v2;
	vm0 =	veq.s32 v20, v22;
	v24 =	vld [tilespmem:s26+$0xFFFFFFE0]  }
0x63: {  	v22 =	vmul.f32 v37, v37;
	v26 =	vld [tilespmem:s26+$0xFFFFFFD0];
	v17 =	vadd.f32 v23, v17;
	v23 =	vsub.f32 v30, v27  }
0x64: {  	v35 =	vor.u32 v12, v31;
	v36 =	vsel vm0, $0x3F800000, v2;
	v27 =	vor.u32 v11, v31;
	v30 =	vld [tilespmem:s26+$0xFFFFFFC0];
	v19 =	vmovc v28  }
0x65: {  	s28 =	sadd.s32 $0x8, s28;
	v29 =	vsub.f32 v36, v29;
	v20 =	vld.idx.msk [tilespmem:v32+s14+$0x0], $0xffff;
	v17 =	vadd.f32 v22, v17;
	v28 =	vmul.f32 v23, v23  }
0x66: {  	p2 =	slt.u32 s28, $0xC0;
	v32 =	vor.u32 v9, v31;
	v22 =	vld.idx.msk [tilespmem:v33+s14+$0x0], $0xffff  }
0x67: {  	v33 =	vor.u32 v10, v31;
	v23 =	vld.idx.msk [tilespmem:v34+s14+$0x0], $0xffff;
	v17 =	vadd.f32 v28, v17;
	v28 =	vmul.f32 v29, v29  }
0x68: {  	v34 =	vor.u32 v7, v31;
	v25 =	vld.idx.msk [tilespmem:v25+s14+$0x0], $0xffff  }
0x69: {  	v36 =	vor.u32 v0, v31;
	v27 =	vld.idx.msk [tilespmem:v27+s14+$0x0], $0xffff;
	v17 =	vadd.f32 v28, v17  }
0x6a: {  	v37 =	vor.u32 v1, v31;
	v28 =	vld.idx.msk [tilespmem:v35+s14+$0x0], $0xffff  }
0x6b: {  	v35 =	vor.u32 v3, v31;
	v32 =	vld.idx.msk [tilespmem:v32+s14+$0x0], $0xffff  }
0x6c: {  	v38 =	vor.u32 v4, v31;
	v29 =	vld.idx.msk [tilespmem:v33+s14+$0x0], $0xffff  }
0x6d: {  	v33 =	vor.u32 v5, v31;
	v34 =	vld.idx.msk [tilespmem:v34+s14+$0x0], $0xffff  }
0x6e: {  	v39 =	vor.u32 v6, v31;
	v36 =	vld.idx.msk [tilespmem:v36+s14+$0x0], $0xffff  }
0x6f: {  	v31 =	vor.u32 v8, v31;
	v37 =	vld.idx.msk [tilespmem:v37+s14+$0x0], $0xffff  }
0x70: {  	v40 =	vld.idx.msk [tilespmem:v35+s14+$0x0], $0xffff  }
0x71: {  	v38 =	vld.idx.msk [tilespmem:v38+s14+$0x0], $0xffff  }
0x72: {  	v33 =	vld.idx.msk [tilespmem:v33+s14+$0x0], $0xffff  }
0x73: {  	v39 =	vld.idx.msk [tilespmem:v39+s14+$0x0], $0xffff  }
0x74: {  	v31 =	vld.idx.msk [tilespmem:v31+s14+$0x0], $0xffff  }
0x75: {  	v35 =	vld.idx.msk [tilespmem:v34+s5+$0x0], $0xffff  }
0x76: {  	v34 =	vld.idx.msk [tilespmem:v36+s5+$0x0], $0xffff  }
0x77: {  	v36 =	vld.idx.msk [tilespmem:v37+s5+$0x0], $0xffff  }
0x78: {  	v40 =	vld.idx.msk [tilespmem:v40+s5+$0x0], $0xffff  }
.Ltmp2:
0x79: {  	v41 =	vld.idx.msk [tilespmem:v38+s5+$0x0], $0xffff;
	(pc) =	sbr.rel @p2 .LBB2_3-.Ltmp2, $4  }
0x7a: {  	v38 =	vld.idx.msk [tilespmem:v33+s5+$0x0], $0xffff  }
0x7b: {  	v39 =	vld.idx.msk [tilespmem:v39+s5+$0x0], $0xffff  }
0x7c: {  	v37 =	vld.idx.msk [tilespmem:v31+s5+$0x0], $0xffff  }
0x7d: {  	s29 =	sadd.s32 $0x80, s29;
	vm0 =	veq.s32 v34, v36;
	v36 =	vld.idx.msk [tilespmem:v32+s5+$0x0], $0xffff  }
0x7e: {  	_ =	sdelay $0x3  }
0x7f: {  	v42 =	vld.idx.msk [tilespmem:v29+s5+$0x0], $0xffff  }
0x80: {  	v43 =	vld.idx.msk [tilespmem:v27+s5+$0x0], $0xffff  }
0x81: {  	v44 =	vld.idx.msk [tilespmem:v28+s5+$0x0], $0xffff  }
0x82: {  	v45 =	vld.idx.msk [tilespmem:v23+s5+$0x0], $0xffff  }
0x83: {  	v46 =	vld.idx.msk [tilespmem:v25+s5+$0x0], $0xffff  }
0x84: {  	v47 =	vld.idx.msk [tilespmem:v20+s5+$0x0], $0xffff  }
0x85: {  	v48 =	vld.idx.msk [tilespmem:v22+s5+$0x0], $0xffff  }
0x86: {  	v49 =	vld [tilespmem:s26+$0x30];
	s25 =	sadd.s32 $0x3, s25  }
0x87: {  	v50 =	vld [tilespmem:s26+$0x20];
	_ =	swait.ge [sflag:s21], $0x1900;
	p2 =	sge.u32 s25, s7  }
0x88: {  	[sflag:s21] =	ssyncset.done $0x0;
	s25 =	sshll.u32 @!p2 s25, $0x5  }
0x89: {  	[sflag:s21] =	ssyncadd.s32 $0xFFFFE700;
	s25 =	sor.u32 @!p2 s6, s25  }
0x8a: {  	s30 =	simm.s32 $0x0;
	_ =	swait.ge [sflag:s21], $0xC80;
	s26 =	smul.u32 @!p2 $0x320, s25  }
0x8b: {  	s28 =	simm.s32 @!p2 $0x0;
	s29 =	simm.s32 @!p2 $0x1A000;
	[sflag:s21] =	ssyncset.done $0x0  }
0x8c: {  	s25 =	smul.u32 @!p2 $0x190, s25;
	[sflag:s21] =	ssyncadd.s32 $0xFFFFF380;
	s26 =	sadd.s32 @!p2 s1, s26  }
0x8d: {  	v20 =	vmov s30;
	[tilespmem:s29], [sflag:$0x2] =	stream.linear.gather @!p2 [hbm4b:s26+s28], $0x1900, $0x38;
	[tilespmem:$0x1EAF0] =	vst v63  }
0x8e: {  	v20 =	vshrl.u32 v20, $0x7;
	s25 =	sadd.s32 @!p2 s0, s25;
	s26 =	simm.s32 @!p2 $0x1C580  }
0x8f: {  	v20 =	vshll.u32 v20, $0x8;
	[tilespmem:s26], [sflag:$0x2] =	stream.linear.gather @!p2 [hbm4b:s25+s28], $0xC80, $0x38;
	[tilespmem:$0x1EAF0] =	vst v63  }
0x90: {  	v51 =	vbroadcast v20, $0x0;
	s25 =	simm.s32 $0x1C5C0  }
0x91: {  	v22 =	vld [tilespmem:s25+$0x10]  }
0x92: {  	v27 =	vor.u32 v15, v51;
	v20 =	vld [tilespmem:s25+$0x0]  }
0x93: {  	v28 =	vor.u32 v16, v51;
	v23 =	vld [tilespmem:s25+$0xFFFFFFF0]  }
0x94: {  	v32 =	vor.u32 v13, v51;
	v25 =	vld [tilespmem:s25+$0xFFFFFFE0]  }
0x95: {  	v34 =	vor.u32 v14, v51;
	v29 =	vld [tilespmem:s25+$0xFFFFFFD0]  }
0x96: {  	v52 =	vor.u32 v11, v51;
	v31 =	vld [tilespmem:s25+$0xFFFFFFC0]  }
0x97: {  	v53 =	vor.u32 v12, v51;
	v27 =	vld.idx.msk [tilespmem:v27+s16+$0x0], $0xffff  }
0x98: {  	v54 =	vor.u32 v9, v51;
	v28 =	vld.idx.msk [tilespmem:v28+s16+$0x0], $0xffff  }
0x99: {  	v55 =	vor.u32 v10, v51;
	v33 =	vld.idx.msk [tilespmem:v32+s16+$0x0], $0xffff  }
0x9a: {  	v56 =	vor.u32 v7, v51;
	v32 =	vld.idx.msk [tilespmem:v34+s16+$0x0], $0xffff  }
0x9b: {  	v57 =	vsel vm0, $0x3F800000, v2;
	v58 =	vor.u32 v0, v51;
	v34 =	vld.idx.msk [tilespmem:v52+s16+$0x0], $0xffff  }
0x9c: {  	vm0 =	veq.s32 v40, v41;
	v61 =	vsub.f32 v57, v30;
	v62 =	vor.u32 v1, v51;
	v30 =	vld.idx.msk [tilespmem:v53+s16+$0x0], $0xffff  }
0x9d: {  	v41 =	vsel vm0, $0x3F800000, v2;
	vm0 =	veq.s32 v38, v39;
	v39 =	vor.u32 v4, v51;
	v54 =	vld.idx.msk [tilespmem:v54+s16+$0x0], $0xffff  }
0x9e: {  	v26 =	vsub.f32 v41, v26;
	v53 =	vor.u32 v3, v51;
	v52 =	vmul.f32 v61, v61;
	v38 =	vld.idx.msk [tilespmem:v55+s16+$0x0], $0xffff  }
0x9f: {  	v63 =	vsel vm0, $0x3F800000, v2;
	vm0 =	veq.s32 v35, v37;
	v55 =	vor.u32 v5, v51;
	v56 =	vld.idx.msk [tilespmem:v56+s16+$0x0], $0xffff  }
0xa0: {  	v26 =	vmul.f32 v26, v26;
	v60 =	vld.idx.msk [tilespmem:v58+s16+$0x0], $0xffff;
	v61 =	vor.u32 v6, v51;
	v17 =	vadd.f32 v52, v17  }
0xa1: {  	v24 =	vsub.f32 v63, v24;
	v63 =	vsel vm0, $0x3F800000, v2;
	v40 =	vld.idx.msk [tilespmem:v62+s16+$0x0], $0xffff;
	v62 =	vor.u32 v8, v51  }
0xa2: {  	v21 =	vsub.f32 v63, v21;
	v17 =	vadd.f32 v26, v17;
	v26 =	vld.idx.msk [tilespmem:v39+s16+$0x0], $0xffff  }
0xa3: {  	vm0 =	veq.s32 v36, v42;
	v24 =	vmul.f32 v24, v24;
	v52 =	vld.idx.msk [tilespmem:v53+s16+$0x0], $0xffff  }
0xa4: {  	v21 =	vmul.f32 v21, v21;
	v53 =	vsel vm0, $0x3F800000, v2;
	v55 =	vld.idx.msk [tilespmem:v55+s16+$0x0], $0xffff  }
0xa5: {  	vm0 =	veq.s32 v43, v44;
	v17 =	vadd.f32 v24, v17;
	v18 =	vsub.f32 v53, v18;
	v24 =	vld.idx.msk [tilespmem:v61+s16+$0x0], $0xffff  }
0xa6: {  	v58 =	vld.idx.msk [tilespmem:v62+s16+$0x0], $0xffff;
	v57 =	vsel vm0, $0x3F800000, v2;
	vm0 =	veq.s32 v45, v46  }
0xa7: {  	v19 =	vsub.f32 v57, v19;
	v17 =	vadd.f32 v21, v17;
	v21 =	vmul.f32 v18, v18;
	v18 =	vld.idx.msk [tilespmem:v56+s5+$0x0], $0xffff  }
0xa8: {  	v59 =	vsel vm0, $0x3F800000, v2;
	vm0 =	veq.s32 v47, v48;
	v60 =	vld.idx.msk [tilespmem:v60+s5+$0x0], $0xffff  }
0xa9: {  	v61 =	vld.idx.msk [tilespmem:v40+s5+$0x0], $0xffff;
	v19 =	vmul.f32 v19, v19;
	v17 =	vadd.f32 v21, v17;
	v21 =	vsub.f32 v59, v50  }
0xaa: {  	v62 =	vsel vm0, $0x3F800000, v2;
	v36 =	vld.idx.msk [tilespmem:v26+s5+$0x0], $0xffff  }
0xab: {  	v17 =	vadd.f32 v19, v17;
	v19 =	vsub.f32 v62, v49;
	v63 =	vmul.f32 v21, v21;
	v35 =	vld.idx.msk [tilespmem:v52+s5+$0x0], $0xffff  }
0xac: {  	v21 =	vld.idx.msk [tilespmem:v55+s5+$0x0], $0xffff  }
0xad: {  	v17 =	vadd.f32 v63, v17;
	v19 =	vmul.f32 v19, v19;
	v26 =	vld.idx.msk [tilespmem:v24+s5+$0x0], $0xffff  }
0xae: {  	v24 =	vld.idx.msk [tilespmem:v58+s5+$0x0], $0xffff  }
0xaf: {  	s26 =	simm.s32 $0x0;
	s28 =	simm.s32 $0x80;
	vm0 =	veq.s32 v60, v61;
	v17 =	vadd.f32 v19, v17;
	v19 =	vld.idx.msk [tilespmem:v54+s5+$0x0], $0xffff  }
.LBB2_5:
0xb0: {  	v37 =	vmov s28;
	v39 =	vsel vm0, $0x3F800000, v2;
	v38 =	vld.idx.msk [tilespmem:v38+s5+$0x0], $0xffff  }
0xb1: {  	vm0 =	veq.s32 v35, v36;
	v37 =	vshrl.u32 v37, $0x7;
	v31 =	vsub.f32 v39, v31;
	v34 =	vld.idx.msk [tilespmem:v34+s5+$0x0], $0xffff  }
0xb2: {  	v36 =	vsel vm0, $0x3F800000, v2;
	v35 =	vshll.u32 v37, $0x8;
	v30 =	vld.idx.msk [tilespmem:v30+s5+$0x0], $0xffff  }
0xb3: {  	v29 =	vsub.f32 v36, v29;
	vm0 =	veq.s32 v21, v26;
	v31 =	vmul.f32 v31, v31;
	v21 =	vld.idx.msk [tilespmem:v33+s5+$0x0], $0xffff  }
0xb4: {  	v26 =	vbroadcast v35, $0x0;
	v33 =	vsel vm0, $0x3F800000, v2;
	vm0 =	veq.s32 v18, v24;
	v18 =	vld.idx.msk [tilespmem:v32+s5+$0x0], $0xffff  }
0xb5: {  	v24 =	vmul.f32 v29, v29;
	v25 =	vsub.f32 v33, v25;
	v17 =	vadd.f32 v31, v17;
	v27 =	vld.idx.msk [tilespmem:v27+s5+$0x0], $0xffff  }
0xb6: {  	v29 =	vsel vm0, $0x3F800000, v2;
	v32 =	vor.u32 v15, v26;
	vm0 =	veq.s32 v19, v38;
	v19 =	vld.idx.msk [tilespmem:v28+s5+$0x0], $0xffff  }
0xb7: {  	v23 =	vsub.f32 v29, v23;
	v17 =	vadd.f32 v24, v17;
	v24 =	vmul.f32 v25, v25;
	v28 =	vld [tilespmem:s25+$0x30]  }
0xb8: {  	v33 =	vor.u32 v16, v26;
	v25 =	vsel vm0, $0x3F800000, v2;
	vm0 =	veq.s32 v34, v30;
	v30 =	vld [tilespmem:s25+$0x20];
	s25 =	sadd.s32 $0x80, s25  }
0xb9: {  	v25 =	vsub.f32 v25, v20;
	v34 =	vld [tilespmem:s25+$0x10];
	v17 =	vadd.f32 v24, v17;
	v24 =	vmul.f32 v23, v23  }
0xba: {  	v35 =	vor.u32 v13, v26;
	v29 =	vsel vm0, $0x3F800000, v2;
	vm0 =	veq.s32 v21, v18;
	v20 =	vld [tilespmem:s25+$0x0]  }
0xbb: {  	v21 =	vsub.f32 v29, v22;
	v18 =	vmul.f32 v25, v25;
	v23 =	vld [tilespmem:s25+$0xFFFFFFF0];
	v17 =	vadd.f32 v24, v17  }
0xbc: {  	v37 =	vsel vm0, $0x3F800000, v2;
	v24 =	vor.u32 v14, v26;
	vm0 =	veq.s32 v27, v19;
	v25 =	vld [tilespmem:s25+$0xFFFFFFE0]  }
0xbd: {  	v29 =	vld [tilespmem:s25+$0xFFFFFFD0];
	v17 =	vadd.f32 v18, v17;
	v18 =	vmul.f32 v21, v21;
	v19 =	vsub.f32 v37, v30  }
0xbe: {  	v36 =	vsel vm0, $0x3F800000, v2;
	v21 =	vor.u32 v11, v26;
	v30 =	vor.u32 v12, v26;
	v31 =	vld [tilespmem:s25+$0xFFFFFFC0];
	v22 =	vmovc v34  }
0xbf: {  	s26 =	sadd.s32 $0x8, s26;
	v27 =	vld.idx.msk [tilespmem:v32+s16+$0x0], $0xffff;
	v17 =	vadd.f32 v18, v17;
	v18 =	vmul.f32 v19, v19;
	v19 =	vsub.f32 v36, v28  }
0xc0: {  	p2 =	slt.u32 s26, $0xC0;
	v36 =	vor.u32 v9, v26;
	v28 =	vld.idx.msk [tilespmem:v33+s16+$0x0], $0xffff  }
0xc1: {  	v37 =	vor.u32 v10, v26;
	v33 =	vld.idx.msk [tilespmem:v35+s16+$0x0], $0xffff;
	v17 =	vadd.f32 v18, v17;
	v18 =	vmul.f32 v19, v19  }
0xc2: {  	v19 =	vor.u32 v7, v26;
	v32 =	vld.idx.msk [tilespmem:v24+s16+$0x0], $0xffff  }
0xc3: {  	v24 =	vor.u32 v0, v26;
	v34 =	vld.idx.msk [tilespmem:v21+s16+$0x0], $0xffff;
	v17 =	vadd.f32 v18, v17  }
0xc4: {  	v18 =	vor.u32 v1, v26;
	v30 =	vld.idx.msk [tilespmem:v30+s16+$0x0], $0xffff  }
0xc5: {  	v21 =	vor.u32 v3, v26;
	v39 =	vld.idx.msk [tilespmem:v36+s16+$0x0], $0xffff  }
0xc6: {  	v35 =	vor.u32 v4, v26;
	v38 =	vld.idx.msk [tilespmem:v37+s16+$0x0], $0xffff  }
0xc7: {  	v36 =	vor.u32 v5, v26;
	v19 =	vld.idx.msk [tilespmem:v19+s16+$0x0], $0xffff  }
0xc8: {  	v37 =	vor.u32 v6, v26;
	v24 =	vld.idx.msk [tilespmem:v24+s16+$0x0], $0xffff  }
0xc9: {  	v40 =	vld.idx.msk [tilespmem:v18+s16+$0x0], $0xffff;
	v18 =	vor.u32 v8, v26  }
0xca: {  	v21 =	vld.idx.msk [tilespmem:v21+s16+$0x0], $0xffff  }
0xcb: {  	v26 =	vld.idx.msk [tilespmem:v35+s16+$0x0], $0xffff  }
0xcc: {  	v41 =	vld.idx.msk [tilespmem:v36+s16+$0x0], $0xffff  }
0xcd: {  	v37 =	vld.idx.msk [tilespmem:v37+s16+$0x0], $0xffff  }
0xce: {  	v42 =	vld.idx.msk [tilespmem:v18+s16+$0x0], $0xffff  }
0xcf: {  	v18 =	vld.idx.msk [tilespmem:v19+s5+$0x0], $0xffff  }
0xd0: {  	v19 =	vld.idx.msk [tilespmem:v24+s5+$0x0], $0xffff  }
0xd1: {  	v40 =	vld.idx.msk [tilespmem:v40+s5+$0x0], $0xffff  }
0xd2: {  	v35 =	vld.idx.msk [tilespmem:v21+s5+$0x0], $0xffff  }
.Ltmp3:
0xd3: {  	v36 =	vld.idx.msk [tilespmem:v26+s5+$0x0], $0xffff;
	(pc) =	sbr.rel @p2 .LBB2_5-.Ltmp3, $4  }
0xd4: {  	v21 =	vld.idx.msk [tilespmem:v41+s5+$0x0], $0xffff  }
0xd5: {  	v26 =	vld.idx.msk [tilespmem:v37+s5+$0x0], $0xffff  }
0xd6: {  	v24 =	vld.idx.msk [tilespmem:v42+s5+$0x0], $0xffff  }
0xd7: {  	s28 =	sadd.s32 $0x80, s28;
	vm0 =	veq.s32 v19, v40;
	v19 =	vld.idx.msk [tilespmem:v39+s5+$0x0], $0xffff  }
0xd8: {  	_ =	sdelay $0x3  }
0xd9: {  	v37 =	vsel vm0, $0x3F800000, v2;
	v38 =	vld.idx.msk [tilespmem:v38+s5+$0x0], $0xffff;
	vm9 =	veq.s32 v35, v36  }
0xda: {  	v34 =	vld.idx.msk [tilespmem:v34+s5+$0x0], $0xffff;
	v31 =	vsub.f32 v37, v31;
	v35 =	vsel vm9, $0x3F800000, v2  }
0xdb: {  	v30 =	vld.idx.msk [tilespmem:v30+s5+$0x0], $0xffff;
	v29 =	vsub.f32 v35, v29  }
0xdc: {  	vm10 =	veq.s32 v21, v26;
	v31 =	vmul.f32 v31, v31  }
0xdd: {  	v53 =	vld.idx.msk [tilespmem:v33+s5+$0x0], $0xffff;
	v26 =	vsel vm10, $0x3F800000, v2;
	vm11 =	veq.s32 v18, v24;
	v54 =	vmul.f32 v29, v29  }
0xde: {  	v55 =	vld.idx.msk [tilespmem:v27+s5+$0x0], $0xffff;
	v25 =	vsub.f32 v26, v25;
	v56 =	vsel vm11, $0x3F800000, v2;
	v17 =	vadd.f32 v31, v17  }
0xdf: {  	v18 =	vld.idx.msk [tilespmem:v32+s5+$0x0], $0xffff;
	vm12 =	veq.s32 v19, v38;
	v23 =	vsub.f32 v56, v23  }
0xe0: {  	v19 =	vld.idx.msk [tilespmem:v28+s5+$0x0], $0xffff;
	vm13 =	veq.s32 v34, v30;
	v57 =	vmul.f32 v25, v25;
	v17 =	vadd.f32 v54, v17  }
0xe1: {  	v59 =	vld [tilespmem:s25+$0x20];
	v58 =	vsel vm12, $0x3F800000, v2;
	v61 =	vsel vm13, $0x3F800000, v2  }
0xe2: {  	v23 =	vmul.f32 v23, v23;
	v20 =	vsub.f32 v58, v20;
	v17 =	vadd.f32 v57, v17  }
0xe3: {  	v60 =	vld [tilespmem:s25+$0x30];
	v62 =	vsub.f32 v61, v22  }
0xe4: {  	vm14 =	veq.s32 v53, v18;
	v18 =	vmul.f32 v20, v20;
	v17 =	vadd.f32 v23, v17  }
0xe5: {  	v21 =	vsel vm14, $0x3F800000, v2;
	vm15 =	veq.s32 v55, v19  }
0xe6: {  	s24 =	sadd.s32 $0x1, s24;
	v19 =	vsub.f32 v21, v59;
	v17 =	vadd.f32 v18, v17;
	v18 =	vmul.f32 v62, v62  }
0xe7: {  	p2 =	sne.s32 s24, $0x1F;
	v63 =	vsel vm15, $0x3F800000, v2  }
.Ltmp4:
0xe8: {  	v17 =	vadd.f32 v18, v17;
	v18 =	vmul.f32 v19, v19;
	v19 =	vsub.f32 v63, v60;
	(pc) =	sbr.rel @p2 .LBB2_2-.Ltmp4, $3  }
0xe9: {  	_ = 	snop  }
0xea: {  	v17 =	vadd.f32 v18, v17;
	v18 =	vmul.f32 v19, v19;
	_ =	sdelay $0x1  }
0xeb: {  	v17 =	vadd.f32 v18, v17  }
.Ltmp5:
0xec: {  	(pc) =	sbr.rel @p1 .LBB2_11-.Ltmp5, $2  }
0xed: {  	_ =	sdelay $0x2  }
0xee: {  	[tilespmem:$0x1D200] =	vst v17  }
0xef: {  	_ =	swait.ge [sflag:s20], $0x1900  }
0xf0: {  	s24 =	simm.s32 $0x0;
	[sflag:s20] =	ssyncset.done $0x0  }
0xf1: {  	v18 =	vmov s24;
	[sflag:s20] =	ssyncadd.s32 $0xFFFFE700  }
0xf2: {  	v18 =	vshrl.u32 v18, $0x7;
	_ =	swait.ge [sflag:s20], $0xC80  }
0xf3: {  	v18 =	vshll.u32 v18, $0x8;
	[sflag:s20] =	ssyncset.done $0x0  }
0xf4: {  	s24 =	simm.s32 $0x1B940;
	v31 =	vbroadcast v18, $0x0;
	[sflag:s20] =	ssyncadd.s32 $0xFFFFF380  }
0xf5: {  	v19 =	vld [tilespmem:s24+$0x10]  }
0xf6: {  	v22 =	vor.u32 v15, v31;
	v18 =	vld [tilespmem:s24+$0x0]  }
0xf7: {  	v23 =	vor.u32 v16, v31;
	v20 =	vld [tilespmem:s24+$0xFFFFFFF0]  }
0xf8: {  	v26 =	vor.u32 v13, v31;
	v21 =	vld [tilespmem:s24+$0xFFFFFFE0]  }
0xf9: {  	v28 =	vor.u32 v14, v31;
	v24 =	vld [tilespmem:s24+$0xFFFFFFD0]  }
0xfa: {  	v25 =	vld [tilespmem:s24+$0xFFFFFFC0];
	v29 =	vor.u32 v11, v31  }
0xfb: {  	v30 =	vor.u32 v12, v31;
	v22 =	vld.idx.msk [tilespmem:v22+s14+$0x0], $0xffff  }
0xfc: {  	v32 =	vor.u32 v9, v31;
	v23 =	vld.idx.msk [tilespmem:v23+s14+$0x0], $0xffff  }
0xfd: {  	v33 =	vor.u32 v10, v31;
	v27 =	vld.idx.msk [tilespmem:v26+s14+$0x0], $0xffff  }
0xfe: {  	v34 =	vor.u32 v7, v31;
	v26 =	vld.idx.msk [tilespmem:v28+s14+$0x0], $0xffff  }
0xff: {  	v35 =	vor.u32 v0, v31;
	v28 =	vld.idx.msk [tilespmem:v29+s14+$0x0], $0xffff  }
0x100: {  	v36 =	vor.u32 v1, v31;
	v29 =	vld.idx.msk [tilespmem:v30+s14+$0x0], $0xffff  }
0x101: {  	v37 =	vor.u32 v3, v31;
	v32 =	vld.idx.msk [tilespmem:v32+s14+$0x0], $0xffff  }
0x102: {  	v38 =	vor.u32 v4, v31;
	v30 =	vld.idx.msk [tilespmem:v33+s14+$0x0], $0xffff  }
0x103: {  	v63 =	vor.u32 v5, v31;
	v34 =	vld.idx.msk [tilespmem:v34+s14+$0x0], $0xffff  }
0x104: {  	v39 =	vor.u32 v6, v31;
	v35 =	vld.idx.msk [tilespmem:v35+s14+$0x0], $0xffff  }
0x105: {  	v31 =	vor.u32 v8, v31;
	v36 =	vld.idx.msk [tilespmem:v36+s14+$0x0], $0xffff  }
0x106: {  	v37 =	vld.idx.msk [tilespmem:v37+s14+$0x0], $0xffff  }
0x107: {  	v38 =	vld.idx.msk [tilespmem:v38+s14+$0x0], $0xffff  }
0x108: {  	v33 =	vld.idx.msk [tilespmem:v63+s14+$0x0], $0xffff  }
0x109: {  	v39 =	vld.idx.msk [tilespmem:v39+s14+$0x0], $0xffff  }
0x10a: {  	v40 =	vld.idx.msk [tilespmem:v31+s14+$0x0], $0xffff  }
0x10b: {  	v31 =	vld.idx.msk [tilespmem:v34+s5+$0x0], $0xffff  }
0x10c: {  	v41 =	vld.idx.msk [tilespmem:v35+s5+$0x0], $0xffff  }
0x10d: {  	v42 =	vld.idx.msk [tilespmem:v36+s5+$0x0], $0xffff  }
0x10e: {  	v36 =	vld.idx.msk [tilespmem:v37+s5+$0x0], $0xffff  }
0x10f: {  	v37 =	vld.idx.msk [tilespmem:v38+s5+$0x0], $0xffff  }
0x110: {  	v34 =	vld.idx.msk [tilespmem:v33+s5+$0x0], $0xffff  }
0x111: {  	v35 =	vld.idx.msk [tilespmem:v39+s5+$0x0], $0xffff  }
0x112: {  	v33 =	vld.idx.msk [tilespmem:v40+s5+$0x0], $0xffff  }
0x113: {  	s25 =	simm.s32 $0x0;
	s26 =	simm.s32 $0x80;
	v32 =	vld.idx.msk [tilespmem:v32+s5+$0x0], $0xffff;
	vm0 =	veq.s32 v41, v42  }
.LBB2_9:
0x114: {  	v38 =	vmov s26;
	v39 =	vsel vm0, $0x3F800000, v2;
	v30 =	vld.idx.msk [tilespmem:v30+s5+$0x0], $0xffff  }
0x115: {  	vm0 =	veq.s32 v36, v37;
	v38 =	vshrl.u32 v38, $0x7;
	v25 =	vsub.f32 v39, v25;
	v28 =	vld.idx.msk [tilespmem:v28+s5+$0x0], $0xffff  }
0x116: {  	v37 =	vsel vm0, $0x3F800000, v2;
	v36 =	vshll.u32 v38, $0x8;
	v29 =	vld.idx.msk [tilespmem:v29+s5+$0x0], $0xffff  }
0x117: {  	v24 =	vsub.f32 v37, v24;
	vm0 =	veq.s32 v34, v35;
	v25 =	vmul.f32 v25, v25;
	v27 =	vld.idx.msk [tilespmem:v27+s5+$0x0], $0xffff  }
0x118: {  	v34 =	vbroadcast v36, $0x0;
	v35 =	vsel vm0, $0x3F800000, v2;
	vm0 =	veq.s32 v31, v33;
	v26 =	vld.idx.msk [tilespmem:v26+s5+$0x0], $0xffff  }
0x119: {  	v24 =	vmul.f32 v24, v24;
	v21 =	vsub.f32 v35, v21;
	v17 =	vadd.f32 v25, v17;
	v22 =	vld.idx.msk [tilespmem:v22+s5+$0x0], $0xffff  }
0x11a: {  	v31 =	vor.u32 v15, v34;
	v25 =	vsel vm0, $0x3F800000, v2;
	vm0 =	veq.s32 v32, v30;
	v23 =	vld.idx.msk [tilespmem:v23+s5+$0x0], $0xffff  }
0x11b: {  	v21 =	vmul.f32 v21, v21;
	v20 =	vsub.f32 v25, v20;
	v17 =	vadd.f32 v24, v17;
	v30 =	vld [tilespmem:s24+$0x30]  }
0x11c: {  	v32 =	vor.u32 v16, v34;
	v24 =	vsel vm0, $0x3F800000, v2;
	vm0 =	veq.s32 v28, v29;
	v25 =	vld [tilespmem:s24+$0x20];
	s24 =	sadd.s32 $0x80, s24  }
0x11d: {  	v24 =	vsub.f32 v24, v18;
	v28 =	vld [tilespmem:s24+$0x10];
	v17 =	vadd.f32 v21, v17;
	v21 =	vmul.f32 v20, v20  }
0x11e: {  	v29 =	vor.u32 v13, v34;
	v33 =	vsel vm0, $0x3F800000, v2;
	vm0 =	veq.s32 v27, v26;
	v18 =	vld [tilespmem:s24+$0x0]  }
0x11f: {  	v37 =	vsub.f32 v33, v19;
	v26 =	vmul.f32 v24, v24;
	v20 =	vld [tilespmem:s24+$0xFFFFFFF0];
	v17 =	vadd.f32 v21, v17  }
0x120: {  	v33 =	vor.u32 v14, v34;
	v27 =	vsel vm0, $0x3F800000, v2;
	vm0 =	veq.s32 v22, v23;
	v21 =	vld [tilespmem:s24+$0xFFFFFFE0]  }
0x121: {  	v23 =	vmul.f32 v37, v37;
	v24 =	vld [tilespmem:s24+$0xFFFFFFD0];
	v17 =	vadd.f32 v26, v17;
	v26 =	vsub.f32 v27, v25  }
0x122: {  	v35 =	vor.u32 v11, v34;
	v36 =	vor.u32 v12, v34;
	v27 =	vsel vm0, $0x3F800000, v2;
	v25 =	vld [tilespmem:s24+$0xFFFFFFC0];
	v19 =	vmovc v28  }
0x123: {  	s25 =	sadd.s32 $0x8, s25;
	v28 =	vsub.f32 v27, v30;
	v22 =	vld.idx.msk [tilespmem:v31+s14+$0x0], $0xffff;
	v17 =	vadd.f32 v23, v17;
	v26 =	vmul.f32 v26, v26  }
0x124: {  	p2 =	slt.u32 s25, $0xC0;
	v30 =	vor.u32 v9, v34;
	v23 =	vld.idx.msk [tilespmem:v32+s14+$0x0], $0xffff  }
0x125: {  	v31 =	vor.u32 v10, v34;
	v27 =	vld.idx.msk [tilespmem:v29+s14+$0x0], $0xffff;
	v17 =	vadd.f32 v26, v17;
	v29 =	vmul.f32 v28, v28  }
0x126: {  	v32 =	vor.u32 v7, v34;
	v26 =	vld.idx.msk [tilespmem:v33+s14+$0x0], $0xffff  }
0x127: {  	v33 =	vor.u32 v0, v34;
	v28 =	vld.idx.msk [tilespmem:v35+s14+$0x0], $0xffff;
	v17 =	vadd.f32 v29, v17  }
0x128: {  	v35 =	vor.u32 v1, v34;
	v29 =	vld.idx.msk [tilespmem:v36+s14+$0x0], $0xffff  }
0x129: {  	v36 =	vor.u32 v3, v34;
	v38 =	vld.idx.msk [tilespmem:v30+s14+$0x0], $0xffff  }
0x12a: {  	v37 =	vor.u32 v4, v34;
	v30 =	vld.idx.msk [tilespmem:v31+s14+$0x0], $0xffff  }
0x12b: {  	v31 =	vor.u32 v5, v34;
	v32 =	vld.idx.msk [tilespmem:v32+s14+$0x0], $0xffff  }
0x12c: {  	v39 =	vor.u32 v6, v34;
	v33 =	vld.idx.msk [tilespmem:v33+s14+$0x0], $0xffff  }
0x12d: {  	v34 =	vor.u32 v8, v34;
	v35 =	vld.idx.msk [tilespmem:v35+s14+$0x0], $0xffff  }
0x12e: {  	v36 =	vld.idx.msk [tilespmem:v36+s14+$0x0], $0xffff  }
0x12f: {  	v37 =	vld.idx.msk [tilespmem:v37+s14+$0x0], $0xffff  }
0x130: {  	v40 =	vld.idx.msk [tilespmem:v31+s14+$0x0], $0xffff  }
0x131: {  	v39 =	vld.idx.msk [tilespmem:v39+s14+$0x0], $0xffff  }
0x132: {  	v41 =	vld.idx.msk [tilespmem:v34+s14+$0x0], $0xffff  }
0x133: {  	v31 =	vld.idx.msk [tilespmem:v32+s5+$0x0], $0xffff  }
0x134: {  	v32 =	vld.idx.msk [tilespmem:v33+s5+$0x0], $0xffff  }
0x135: {  	v42 =	vld.idx.msk [tilespmem:v35+s5+$0x0], $0xffff  }
0x136: {  	v36 =	vld.idx.msk [tilespmem:v36+s5+$0x0], $0xffff  }
.Ltmp6:
0x137: {  	v37 =	vld.idx.msk [tilespmem:v37+s5+$0x0], $0xffff;
	(pc) =	sbr.rel @p2 .LBB2_9-.Ltmp6, $4  }
0x138: {  	v34 =	vld.idx.msk [tilespmem:v40+s5+$0x0], $0xffff  }
0x139: {  	v35 =	vld.idx.msk [tilespmem:v39+s5+$0x0], $0xffff  }
0x13a: {  	v33 =	vld.idx.msk [tilespmem:v41+s5+$0x0], $0xffff  }
0x13b: {  	s26 =	sadd.s32 $0x80, s26;
	vm0 =	veq.s32 v32, v42;
	v32 =	vld.idx.msk [tilespmem:v38+s5+$0x0], $0xffff  }
0x13c: {  	_ =	sdelay $0x2  }
0x13d: {  	v38 =	vsel vm0, $0x3F800000, v2  }
0x13e: {  	v30 =	vld.idx.msk [tilespmem:v30+s5+$0x0], $0xffff;
	vm9 =	veq.s32 v36, v37;
	v25 =	vsub.f32 v38, v25  }
0x13f: {  	v28 =	vld.idx.msk [tilespmem:v28+s5+$0x0], $0xffff;
	v36 =	vsel vm9, $0x3F800000, v2  }
0x140: {  	v29 =	vld.idx.msk [tilespmem:v29+s5+$0x0], $0xffff;
	v24 =	vsub.f32 v36, v24;
	vm10 =	veq.s32 v34, v35;
	v25 =	vmul.f32 v25, v25  }
0x141: {  	v27 =	vld.idx.msk [tilespmem:v27+s5+$0x0], $0xffff;
	v34 =	vsel vm10, $0x3F800000, v2;
	vm11 =	veq.s32 v31, v33  }
0x142: {  	v26 =	vld.idx.msk [tilespmem:v26+s5+$0x0], $0xffff;
	v24 =	vmul.f32 v24, v24;
	v21 =	vsub.f32 v34, v21;
	v17 =	vadd.f32 v25, v17  }
0x143: {  	v22 =	vld.idx.msk [tilespmem:v22+s5+$0x0], $0xffff;
	v57 =	vsel vm11, $0x3F800000, v2;
	vm12 =	veq.s32 v32, v30  }
0x144: {  	v23 =	vld.idx.msk [tilespmem:v23+s5+$0x0], $0xffff;
	v20 =	vsub.f32 v57, v20;
	v21 =	vmul.f32 v21, v21;
	v17 =	vadd.f32 v24, v17  }
0x145: {  	v59 =	vld [tilespmem:s24+$0x20];
	vm13 =	veq.s32 v28, v29;
	v58 =	vsel vm12, $0x3F800000, v2  }
0x146: {  	v20 =	vmul.f32 v20, v20;
	v18 =	vsub.f32 v58, v18;
	v17 =	vadd.f32 v21, v17  }
0x147: {  	v60 =	vld [tilespmem:s24+$0x30];
	vm14 =	veq.s32 v27, v26;
	v61 =	vsel vm13, $0x3F800000, v2  }
0x148: {  	v19 =	vsub.f32 v61, v19;
	v18 =	vmul.f32 v18, v18;
	v17 =	vadd.f32 v20, v17  }
0x149: {  	vm15 =	veq.s32 v22, v23;
	v62 =	vsel vm14, $0x3F800000, v2  }
0x14a: {  	v17 =	vadd.f32 v18, v17;
	v18 =	vmul.f32 v19, v19;
	v19 =	vsub.f32 v62, v59  }
0x14b: {  	v63 =	vsel vm15, $0x3F800000, v2  }
0x14c: {  	v17 =	vadd.f32 v18, v17;
	v18 =	vmul.f32 v19, v19;
	v19 =	vsub.f32 v63, v60;
	_ =	sdelay $0x1  }
.Ltmp7:
0x14d: {  	v17 =	vadd.f32 v18, v17;
	v18 =	vmul.f32 v19, v19;
	(pc) =	sbr.rel .LBB2_11-.Ltmp7, $3  }
0x14e: {  	_ = 	snop  }
0x14f: {  	v17 =	vadd.f32 v18, v17;
	_ =	sdelay $0x1  }
0x150: {  	[tilespmem:$0x1D200] =	vst v17  }
.LBB2_12:
0x151: {  	_ =	sfence.sel $0x180000  }
0x152: {  	[bflag:$0x0] =	sbarrier.arrive $0xFFFF  }
0x153: {  	_ =	strace $0x90000047  }
0x154: {  	s0 =	sadd.s32 @!p0 $0x100000, s3;
	[bflag:$0x2] =	sbarrier.arrive $0xFFFF  }
0x155: {  	[sflag:s0] =	ssyncadd.tile.s32 @!p0 $0x1;
	_ =	shalt  }
.Lfunc_end2:
_tile_overlayer_lowered:
.L_overlay_start_2:
0x156: {  	(tag) =	ssettag $0x2  }
0x157: {  	s0 =	rddreg [dreg:$0x0];
	s2 =	stileid.u32  }
0x158: {  	s1 =	rddreg [dreg:$0x1];
	p0 =	sne.s32 s2, $0x0  }
0x159: {  	s3 =	rddreg [dreg:$0x2];
	[bflag:$0x3] =	sbarrier.arrive $0xFFFF;
	s2 =	simm.s32 @!p0 $0x1C03  }
0x15a: {  	[timem:s3], [sflag:s2] =	dma.local @!p0 [hbm:s0], s1  }
0x15b: {  	s0 =	simm.s32 @!p0 $0x3  }
0x15c: {  	_ =	swait.ge @!p0 [sflag:s0], s1  }
0x15d: {  	s1 =	ssub.s32 @!p0 $0x0, s1;
	[sflag:s0] =	ssyncset.done @!p0 $0x0  }
0x15e: {  	[sflag:s0] =	ssyncadd.s32 @!p0 s1  }
0x15f: {  	[bflag:$0x3] =	sbarrier.arrive $0xFFFF  }
0x160: {  	_ =	shalt  }

</sc_bundles>
